<compile_context>
chip_gen: v7x
topology: tpu7x:2x2x1
jax: 0.10.2.dev20260603
libtpu: 0.0.44.dev20260713+nightly
codegen_flags: <defaults>
</compile_context>

<pallas_src>
import functools

import jax
import jax.numpy as jnp
from jax import lax
from jax.experimental import pallas as pl
from jax.experimental.pallas import tpu as pltpu
from jax.experimental.pallas import tpu_sc as plsc

_B, _N, _K = 2, 512, 32
_D0, _D1, _H = 128, 16, 32
_EIN = 2 * _D0 + _D1 + 1
_F1 = 2 * _EIN
_F2 = 4 * _H
_GW = 128
_E = _B * _N * _K
_LN_EPS = 1e-5
_HN_EPS = 1e-8

_BN = 64
_R = _BN * _K

_NW = 32
_EPW = _E // _NW
_CH = 128
_NCH = _EPW // _CH


def _gather_rows(tbl, fidx):
    mesh = plsc.VectorSubcoreMesh(core_axis_name="c", subcore_axis_name="s")

    @functools.partial(
        pl.kernel,
        out_type=jax.ShapeDtypeStruct((_E, _GW), jnp.int32),
        mesh=mesh,
        scratch_types=[
            pltpu.VMEM((_CH,), jnp.int32),
            pltpu.VMEM((_CH,), jnp.int32),
            pltpu.VMEM((_CH, _GW), jnp.int32),
            pltpu.VMEM((_CH, _GW), jnp.int32),
            pltpu.SemaphoreType.DMA,
            pltpu.SemaphoreType.DMA,
        ],
    )
    def gk(tbl_hbm, idx_hbm, out_hbm, idx0, idx1, buf0, buf1, sem0, sem1):
        wid = lax.axis_index("s") * 2 + lax.axis_index("c")
        base = wid * _EPW
        idxs = (idx0, idx1)
        bufs = (buf0, buf1)
        sems = (sem0, sem1)
        pltpu.sync_copy(idx_hbm.at[pl.ds(base, _CH)], idx0)
        pltpu.async_copy(tbl_hbm.at[idx0], buf0, sem0)
        for c in range(_NCH):
            cur = c % 2
            nxt = 1 - cur
            off = base + c * _CH
            if c + 1 < _NCH:
                noff = off + _CH
                pltpu.sync_copy(idx_hbm.at[pl.ds(noff, _CH)], idxs[nxt])
                pltpu.async_copy(tbl_hbm.at[idxs[nxt]], bufs[nxt], sems[nxt])
            pltpu.make_async_copy(tbl_hbm.at[idxs[cur]], bufs[cur], sems[cur]).wait()
            pltpu.sync_copy(bufs[cur], out_hbm.at[pl.ds(off, _CH)])

    return gk(tbl, fidx)


def _silu(x):
    return x * (0.5 * jnp.tanh(0.5 * x) + 0.5)


def _dotb(a, b):
    return lax.dot_general(a, b, (((1,), (0,)), ((), ())),
                           preferred_element_type=jnp.float32)


def _lo_f32(w):
    return lax.bitcast_convert_type(w << 16, jnp.float32)


def _hi_f32(w):
    return lax.bitcast_convert_type(w & jnp.int32(-65536), jnp.float32)


def _tc_body(nodes_r, ht48_r, g_r, aux_r, sel_r,
             wa_r, wb_r, wc_r, wdp_r, b1_r, w2_r, b2_r,
             hw1_r, hb1_r, hw2_r, hb2_r,
             nw1a_r, nw1b_r, nb1_r, nw2_r, nb2_r,
             gw_r, gb_r, lns_r, lnb_r, hns_r, hnb_r,
             on_r, ofx_r, ofy_r, ofz_r):
    bf = jnp.bfloat16
    nodes = nodes_r[0]
    g = g_r[0]
    aux = aux_r[0]
    mk_e = aux[:, 1:2]

    nw = g[:, :_D0 // 2]
    cw = g[:, _D0 // 2:_D0 // 2 + 24]
    nj_lo = _lo_f32(nw).astype(bf)
    nj_hi = _hi_f32(nw).astype(bf)
    xyz_j = jnp.concatenate([_lo_f32(cw), _hi_f32(cw)], axis=-1)
    xyz_j = xyz_j.reshape(_BN, _K, 3 * _D1)
    ht48 = ht48_r[0]

    rel = ht48[:, None, :] - xyz_j
    r2 = rel * rel
    nsq = r2[:, :, :_D1] + r2[:, :, _D1:2 * _D1] + r2[:, :, 2 * _D1:]
    norm = jnp.sqrt(nsq)

    pre_a = (_dotb(nodes.astype(bf), wa_r[:]) + b1_r[:]).astype(bf)
    catx = jnp.concatenate(
        [nj_lo, nj_hi, sel_r[:], norm.reshape(_R, _D1).astype(bf),
         aux.astype(bf)], axis=-1)
    wcat = jnp.concatenate(
        [wb_r[:], pre_a, wc_r[:], wdp_r[:]], axis=0)
    h1 = _silu(_dotb(catx, wcat)).astype(bf)
    m = _silu(_dotb(h1, w2_r[:]) + b2_r[:])

    t = _silu(_dotb(m.astype(bf), hw1_r[:]) + hb1_r[:])
    htw = _dotb(t.astype(bf), hw2_r[:]) + hb2_r[:]

    hns = hns_r[:].reshape(1, 1, _D1)
    hnb = hnb_r[:].reshape(1, 1, _D1)
    coeff = (norm * hns + hnb) / jnp.maximum(norm, _HN_EPS)
    w3 = htw.reshape(_BN, _K, _D1) * coeff
    w3_48 = jnp.concatenate([w3, w3, w3], axis=-1)
    upd48 = jnp.sum(rel * w3_48, axis=1)

    mmk = (m * mk_e).astype(bf)
    mi = lax.dot_general(sel_r[:], mmk, (((0,), (0,)), ((), ())),
                         preferred_element_type=jnp.float32)

    mu = jnp.mean(nodes, axis=-1, keepdims=True)
    var = jnp.mean((nodes - mu) ** 2, axis=-1, keepdims=True)
    normed = (nodes - mu) * lax.rsqrt(var + _LN_EPS) * lns_r[:] + lnb_r[:]
    h = _silu(_dotb(normed.astype(bf), nw1a_r[:])
              + _dotb(mi.astype(bf), nw1b_r[:]) + nb1_r[:])
    node_out = _dotb(h.astype(bf), nw2_r[:]) + nb2_r[:] + nodes
    gate = 0.5 * jnp.tanh(
        0.5 * (_dotb(node_out.astype(bf), gw_r[:]) + gb_r[:])) + 0.5

    nf = ht48 + upd48
    on_r[0] = node_out
    ofx_r[0] = nf[:, :_D1] * gate
    ofy_r[0] = nf[:, _D1:2 * _D1] * gate
    ofz_r[0] = nf[:, 2 * _D1:] * gate


def _pack_halves(x):
    u = lax.bitcast_convert_type(
        x.astype(jnp.bfloat16), jnp.uint16).astype(jnp.uint32)
    n = x.shape[-1] // 2
    return lax.bitcast_convert_type(
        u[..., :n] | (u[..., n:] << 16), jnp.int32)


def kernel(node_feats, htype1, rel_dist, neighbor_indices, neighbor_masks,
           ln_scale, ln_bias, e_w1, e_b1, e_w2, e_b2, hn_scale, hn_bias,
           gate_w, gate_b, ht_w1, ht_b1, ht_w2, ht_b2, n_w1, n_b1, n_w2, n_b2):
    f32 = jnp.float32
    bf = jnp.bfloat16
    nodes = node_feats[..., 0]
    ht48 = jnp.concatenate(
        [htype1[..., 0], htype1[..., 1], htype1[..., 2]],
        axis=-1)

    tblw = jnp.concatenate(
        [_pack_halves(nodes), _pack_halves(ht48),
         jnp.zeros((_B, _N, _GW - _D0 // 2 - 3 * _D1 // 2), jnp.int32)],
        axis=-1).reshape(_B * _N, _GW)
    fidx = (jnp.arange(_B, dtype=jnp.int32)[:, None, None] * _N
            + neighbor_indices.astype(jnp.int32)).reshape(_E)
    g = _gather_rows(tblw, fidx).reshape(_B, _N * _K, _GW)

    lane16 = jnp.arange(_D1, dtype=jnp.int32)
    aux = (rel_dist[..., None] * (lane16 == 0)
           + neighbor_masks[..., None].astype(f32) * (lane16 == 1)
           ).reshape(_B, _N * _K, _D1)

    wa = e_w1[:_D0].astype(bf)
    wbm = e_w1[_D0:2 * _D0]
    wb = wbm.astype(bf)
    wc = e_w1[2 * _D0:2 * _D0 + _D1].astype(bf)
    wdp = jnp.concatenate(
        [e_w1[2 * _D0 + _D1:], jnp.zeros((_D1 - 1, _F1), f32)],
        axis=0).astype(bf)
    sel = (jnp.arange(_R, dtype=jnp.int32)[:, None] // _K
           == jnp.arange(_BN, dtype=jnp.int32)[None, :]).astype(bf)
    nw1a = n_w1[:_D0].astype(bf)
    nw1b = n_w1[_D0:].astype(bf)
    row = lambda v: v.reshape(1, -1)

    grid = (_B, _N // _BN)
    node_spec = pl.BlockSpec((1, _BN, _D0), lambda b, i: (b, i, 0))
    d1_spec = pl.BlockSpec((1, _BN, _D1), lambda b, i: (b, i, 0))
    ht_spec = pl.BlockSpec((1, _BN, 3 * _D1), lambda b, i: (b, i, 0))
    g_spec = pl.BlockSpec((1, _R, _GW), lambda b, i: (b, i, 0))
    aux_spec = pl.BlockSpec((1, _R, _D1), lambda b, i: (b, i, 0))
    _full = lambda shape: pl.BlockSpec(shape, lambda b, i: (0, 0))

    on, ofx, ofy, ofz = pl.pallas_call(
        _tc_body,
        grid=grid,
        in_specs=[
            node_spec, ht_spec, g_spec, aux_spec,
            _full((_R, _BN)),
            _full((_D0, _F1)), _full((_D0, _F1)), _full((_D1, _F1)),
            _full((_D1, _F1)), _full((1, _F1)), _full((_F1, _H)),
            _full((1, _H)),
            _full((_H, _F2)), _full((1, _F2)), _full((_F2, _D1)),
            _full((1, _D1)),
            _full((_D0, 2 * _D0)), _full((_H, 2 * _D0)), _full((1, 2 * _D0)),
            _full((2 * _D0, _D0)), _full((1, _D0)),
            _full((_D0, _D1)), _full((1, _D1)), _full((1, _D0)),
            _full((1, _D0)), _full((1, _D1)), _full((1, _D1)),
        ],
        out_specs=[node_spec, d1_spec, d1_spec, d1_spec],
        out_shape=[
            jax.ShapeDtypeStruct((_B, _N, _D0), f32),
            jax.ShapeDtypeStruct((_B, _N, _D1), f32),
            jax.ShapeDtypeStruct((_B, _N, _D1), f32),
            jax.ShapeDtypeStruct((_B, _N, _D1), f32),
        ],
    )(nodes, ht48, g, aux, sel,
      wa, wb, wc, wdp, row(e_b1), e_w2.astype(bf), row(e_b2),
      ht_w1.astype(bf), row(ht_b1), ht_w2.astype(bf), row(ht_b2),
      nw1a, nw1b, row(n_b1), n_w2.astype(bf), row(n_b2),
      gate_w.astype(bf), row(gate_b), row(ln_scale), row(ln_bias),
      hn_scale.reshape(1, _D1), hn_bias.reshape(1, _D1))

    node_out = on[..., None]
    feat1 = jnp.stack([ofx, ofy, ofz], axis=-1)
    return node_out, feat1

# --- scband reference (transcript-rebuilt; emitter-appended) ---
"""Pipeline reference for scband-egnn-53523882442972 (READ-ONLY COPY).

The authoritative reference and input builder live on the scoring server;
editing this copy changes nothing except your own understanding.
"""

import jax, jax.numpy as jnp
import numpy as np

B, N, K = 2, 512, 32
D0, D1, H = 128, 16, 32
EIN = D0 * 2 + D1 + 1  # edge_input_dim = 273
LN_EPS = 1e-5
HN_EPS = 1e-8

def silu(x):
    return x * jax.nn.sigmoid(x)

def setup_inputs(seed: int = 0):
    key = jax.random.key(seed)
    ks = jax.random.split(key, 16)
    std = 1e-3
    inp = {}
    inp['node_feats'] = jax.random.normal(ks[0], (B, N, D0, 1), jnp.float32)
    inp['htype1'] = jax.random.normal(ks[1], (B, N, D1, 3), jnp.float32)
    inp['rel_dist'] = jax.random.uniform(ks[2], (B, N, K), jnp.float32)
    inp['neighbor_indices'] = jax.random.randint(ks[3], (B, N, K), 0, N)
    inp['neighbor_masks'] = jnp.ones((B, N, K), dtype=jnp.bool_)
    inp['ln_scale'] = jnp.ones((D0,), jnp.float32)
    inp['ln_bias'] = jnp.zeros((D0,), jnp.float32)
    inp['e_w1'] = jax.random.normal(ks[4], (EIN, 2 * EIN), jnp.float32) * std
    inp['e_b1'] = jnp.zeros((2 * EIN,), jnp.float32)
    inp['e_w2'] = jax.random.normal(ks[5], (2 * EIN, H), jnp.float32) * std
    inp['e_b2'] = jnp.zeros((H,), jnp.float32)
    inp['hn_scale'] = jnp.full((1, 1, 1, D1, 1), 0.01, jnp.float32)
    inp['hn_bias'] = jnp.full((1, 1, 1, D1, 1), 0.01, jnp.float32)
    inp['gate_w'] = jax.random.normal(ks[6], (D0, D1), jnp.float32) * std
    inp['gate_b'] = jnp.zeros((D1,), jnp.float32)
    inp['ht_w1'] = jax.random.normal(ks[7], (H, 4 * H), jnp.float32) * std
    inp['ht_b1'] = jnp.zeros((4 * H,), jnp.float32)
    inp['ht_w2'] = jax.random.normal(ks[8], (4 * H, D1), jnp.float32) * std
    inp['ht_b2'] = jnp.zeros((D1,), jnp.float32)
    inp['n_w1'] = jax.random.normal(ks[9], (D0 + H, 2 * D0), jnp.float32) * std
    inp['n_b1'] = jnp.zeros((2 * D0,), jnp.float32)
    inp['n_w2'] = jax.random.normal(ks[10], (2 * D0, D0), jnp.float32) * std
    inp['n_b2'] = jnp.zeros((D0,), jnp.float32)
    return inp

def _egnn_forward(node_feats, htype1, rel_dist, neighbor_indices, neighbor_masks,
                  ln_scale, ln_bias, e_w1, e_b1, e_w2, e_b2, hn_scale, hn_bias,
                  gate_w, gate_b, ht_w1, ht_b1, ht_w2, ht_b2, n_w1, n_b1, n_w2, n_b2):
    nodes = node_feats[..., 0]  # [B,N,D0]
    # full pairwise relative higher types: [B,N,N,D1,3]
    rel_htype = htype1[:, :, None, :, :] - htype1[:, None, :, :, :]
    rel_htype_dist = jnp.linalg.norm(rel_htype, axis=-1)  # [B,N,N,D1]
    # batched_index_select(nodes, neighbor_indices, dim=1) -> [B,N,K,D0]
    nodes_j = jax.vmap(lambda v, i: v[i])(nodes, neighbor_indices)
    nodes_i = jnp.broadcast_to(nodes[:, :, None, :], nodes_j.shape)
    # batched_index_select(rel_htype_dist, neighbor_indices, dim=2) -> [B,N,K,D1]
    nbr_htype_dist = jnp.take_along_axis(rel_htype_dist, neighbor_indices[..., None], axis=2)
    edge_in = jnp.concatenate([nodes_i, nodes_j, nbr_htype_dist, rel_dist[..., None]], axis=-1)
    m_ij = silu(silu(edge_in @ e_w1 + e_b1) @ e_w2 + e_b2)  # [B,N,K,H]
    htype_weights = silu(m_ij @ ht_w1 + ht_b1) @ ht_w2 + ht_b2  # [B,N,K,D1]
    # NOTE: in the original, .split happens BEFORE masked_fill (which is out-of-place),
    # so the per-degree weights used below are the UNMASKED ones. Faithful reproduction.
    w_deg1 = htype_weights
    # HtypesNorm
    norm = jnp.linalg.norm(rel_htype, axis=-1, keepdims=True)
    normed_rel = rel_htype / jnp.clip(norm, HN_EPS, None) * (norm * hn_scale + hn_bias)
    normed_nbr = jnp.take_along_axis(normed_rel, neighbor_indices[..., None, None], axis=2)  # [B,N,K,D1,3]
    htype_update = jnp.einsum('bijdm,bijd->bidm', normed_nbr, w_deg1)  # [B,N,D1,3]
    m_ij = jnp.where(neighbor_masks[..., None], m_ij, 0.0)
    m_i = jnp.sum(m_ij, axis=-2)  # [B,N,H]
    mu = jnp.mean(nodes, axis=-1, keepdims=True)
    var = jnp.var(nodes, axis=-1, keepdims=True)
    normed_nodes = (nodes - mu) / jnp.sqrt(var + LN_EPS) * ln_scale + ln_bias
    node_in = jnp.concatenate([normed_nodes, m_i], axis=-1)
    node_out = silu(node_in @ n_w1 + n_b1) @ n_w2 + n_b2 + nodes
    feat1 = htype1 + htype_update
    gating = jax.nn.sigmoid(node_out @ gate_w + gate_b)  # [B,N,D1]
    feat1 = feat1 * gating[..., None]
    return node_out[..., None], feat1

def reference(node_feats, htype1, rel_dist, neighbor_indices, neighbor_masks,
              ln_scale, ln_bias, e_w1, e_b1, e_w2, e_b2, hn_scale, hn_bias,
              gate_w, gate_b, ht_w1, ht_b1, ht_w2, ht_b2, n_w1, n_b1, n_w2, n_b2):
    return _egnn_forward(node_feats, htype1, rel_dist, neighbor_indices, neighbor_masks,
                         ln_scale, ln_bias, e_w1, e_b1, e_w2, e_b2, hn_scale, hn_bias,
                         gate_w, gate_b, ht_w1, ht_b1, ht_w2, ht_b2, n_w1, n_b1, n_w2, n_b2)

if __name__ == "__main__":
    import jax
    _d = setup_inputs()
    print(jax.jit(kernel)(*tuple(_d.values())))

</pallas_src>

<mosaic_0001>
#map = affine_map<(d0, d1) -> (0, 0)>
#map1 = affine_map<(d0, d1) -> (0)>
module attributes {stable_mosaic.version = 14 : i64} {
  func.func @gk(%arg0: i32, %arg1: i32, %arg2: memref<1024x128xi32, #tpu.memory_space<hbm>>, %arg3: memref<32768xi32, #tpu.memory_space<hbm>>, %arg4: memref<32768x128xi32, #tpu.memory_space<hbm>>, %arg5: memref<128xi32, #tpu.memory_space<vmem>>, %arg6: memref<128xi32, #tpu.memory_space<vmem>>, %arg7: memref<128x128xi32, #tpu.memory_space<vmem>>, %arg8: memref<128x128xi32, #tpu.memory_space<vmem>>, %arg9: memref<!tpu.dma_semaphore, #tpu.memory_space<semaphore_mem>>, %arg10: memref<!tpu.dma_semaphore, #tpu.memory_space<semaphore_mem>>) attributes {dimension_semantics = [#tpu.dimension_semantics<core_parallel>, #tpu.dimension_semantics<subcore_parallel>], iteration_bounds = array<i64: 2, 16>, scalar_prefetch = 0 : i64, scratch_operands = 6 : i64, tpu.core_type = #tpu.core_type<sc_vector_subcore>, window_params = [{transform_indices = #map}, {transform_indices = #map1}, {transform_indices = #map}]} {
    %mul3A = arith.constant 2 : i32
    %mul3A_0 = arith.muli %arg1, %mul3A : i32
    %add3A = arith.addi %mul3A_0, %arg0 : i32
    %mul3A_1 = arith.constant 1024 : i32
    %mul3A_2 = arith.muli %add3A, %mul3A_1 : i32
    "tpu.region"() ({
      %run_scoped3A = tpu.sem_alloc : memref<!tpu.dma_semaphore, #tpu.memory_space<semaphore_mem>>
      %dma_start3A_79 = tpu.memref_slice %arg3[%mul3A_2] : memref<32768xi32, #tpu.memory_space<hbm>> -> memref<128xi32, #tpu.memory_space<hbm>>
      %dma_start3A_80 = tpu.memref_slice %arg3[%mul3A_2] : memref<32768xi32, #tpu.memory_space<hbm>> -> memref<128xi32, #tpu.memory_space<hbm>>
      tpu.enqueue_dma source(%dma_start3A_80 : memref<128xi32, #tpu.memory_space<hbm>>) target(%arg5 : memref<128xi32, #tpu.memory_space<vmem>>) target_semaphore(%run_scoped3A : memref<!tpu.dma_semaphore, #tpu.memory_space<semaphore_mem>>)
      %dma_wait3A_81 = tpu.memref_slice %arg3[%mul3A_2] : memref<32768xi32, #tpu.memory_space<hbm>> -> memref<128xi32, #tpu.memory_space<hbm>>
      %dma_wait3A_82 = tpu.memref_slice %arg3[%mul3A_2] : memref<32768xi32, #tpu.memory_space<hbm>> -> memref<128xi32, #tpu.memory_space<hbm>>
      tpu.wait_dma2 semaphore(%run_scoped3A : memref<!tpu.dma_semaphore, #tpu.memory_space<semaphore_mem>>) src(%dma_wait3A_82 : memref<128xi32, #tpu.memory_space<hbm>>) dst(%arg5 : memref<128xi32, #tpu.memory_space<vmem>>)
      tpu.yield
    }) : () -> ()
    %dma_start3A = arith.constant 0 : i32
    %dma_start3A_3 = arith.constant 0 : i32
    %dma_start3A_4 = tpu.memref_slice %arg2[%dma_start3A, %dma_start3A_3] : memref<1024x128xi32, #tpu.memory_space<hbm>> -> memref<1024x128xi32, #tpu.memory_space<hbm>>
    tpu.enqueue_indirect_dma source(%dma_start3A_4 : memref<1024x128xi32, #tpu.memory_space<hbm>>) target(%arg7 : memref<128x128xi32, #tpu.memory_space<vmem>>) offsets(%arg5 : memref<128xi32, #tpu.memory_space<vmem>>) semaphore(%arg9 : memref<!tpu.dma_semaphore, #tpu.memory_space<semaphore_mem>>)
    %add3A_5 = arith.constant 0 : i32
    %add3A_6 = arith.addi %mul3A_2, %add3A_5 : i32
    %add3A_7 = arith.constant 128 : i32
    %add3A_8 = arith.addi %add3A_6, %add3A_7 : i32
    "tpu.region"() ({
      %run_scoped3A = tpu.sem_alloc : memref<!tpu.dma_semaphore, #tpu.memory_space<semaphore_mem>>
      %dma_start3A_79 = tpu.memref_slice %arg3[%add3A_8] : memref<32768xi32, #tpu.memory_space<hbm>> -> memref<128xi32, #tpu.memory_space<hbm>>
      %dma_start3A_80 = tpu.memref_slice %arg3[%add3A_8] : memref<32768xi32, #tpu.memory_space<hbm>> -> memref<128xi32, #tpu.memory_space<hbm>>
      tpu.enqueue_dma source(%dma_start3A_80 : memref<128xi32, #tpu.memory_space<hbm>>) target(%arg6 : memref<128xi32, #tpu.memory_space<vmem>>) target_semaphore(%run_scoped3A : memref<!tpu.dma_semaphore, #tpu.memory_space<semaphore_mem>>)
      %dma_wait3A_81 = tpu.memref_slice %arg3[%add3A_8] : memref<32768xi32, #tpu.memory_space<hbm>> -> memref<128xi32, #tpu.memory_space<hbm>>
      %dma_wait3A_82 = tpu.memref_slice %arg3[%add3A_8] : memref<32768xi32, #tpu.memory_space<hbm>> -> memref<128xi32, #tpu.memory_space<hbm>>
      tpu.wait_dma2 semaphore(%run_scoped3A : memref<!tpu.dma_semaphore, #tpu.memory_space<semaphore_mem>>) src(%dma_wait3A_82 : memref<128xi32, #tpu.memory_space<hbm>>) dst(%arg6 : memref<128xi32, #tpu.memory_space<vmem>>)
      tpu.yield
    }) : () -> ()
    %dma_start3A_9 = arith.constant 0 : i32
    %dma_start3A_10 = arith.constant 0 : i32
    %dma_start3A_11 = tpu.memref_slice %arg2[%dma_start3A_9, %dma_start3A_10] : memref<1024x128xi32, #tpu.memory_space<hbm>> -> memref<1024x128xi32, #tpu.memory_space<hbm>>
    tpu.enqueue_indirect_dma source(%dma_start3A_11 : memref<1024x128xi32, #tpu.memory_space<hbm>>) target(%arg8 : memref<128x128xi32, #tpu.memory_space<vmem>>) offsets(%arg6 : memref<128xi32, #tpu.memory_space<vmem>>) semaphore(%arg10 : memref<!tpu.dma_semaphore, #tpu.memory_space<semaphore_mem>>)
    %dma_wait3A = arith.constant 0 : i32
    %dma_wait3A_12 = arith.constant 0 : i32
    %dma_wait3A_13 = tpu.memref_slice %arg2[%dma_wait3A, %dma_wait3A_12] : memref<1024x128xi32, #tpu.memory_space<hbm>> -> memref<1024x128xi32, #tpu.memory_space<hbm>>
    tpu.wait_indirect_dma semaphore(%arg9 : memref<!tpu.dma_semaphore, #tpu.memory_space<semaphore_mem>>) src(%dma_wait3A_13 : memref<1024x128xi32, #tpu.memory_space<hbm>>) dst(%arg7 : memref<128x128xi32, #tpu.memory_space<vmem>>)
    "tpu.region"() ({
      %run_scoped3A = tpu.sem_alloc : memref<!tpu.dma_semaphore, #tpu.memory_space<semaphore_mem>>
      %dma_start3A_79 = arith.constant 0 : i32
      %dma_start3A_80 = tpu.memref_slice %arg4[%add3A_6, %dma_start3A_79] : memref<32768x128xi32, #tpu.memory_space<hbm>> -> memref<128x128xi32, #tpu.memory_space<hbm>>
      %dma_start3A_81 = arith.constant 0 : i32
      %dma_start3A_82 = tpu.memref_slice %arg4[%add3A_6, %dma_start3A_81] : memref<32768x128xi32, #tpu.memory_space<hbm>> -> memref<128x128xi32, #tpu.memory_space<hbm>>
      tpu.enqueue_dma source(%arg7 : memref<128x128xi32, #tpu.memory_space<vmem>>) target(%dma_start3A_82 : memref<128x128xi32, #tpu.memory_space<hbm>>) target_semaphore(%run_scoped3A : memref<!tpu.dma_semaphore, #tpu.memory_space<semaphore_mem>>)
      %dma_wait3A_83 = arith.constant 0 : i32
      %dma_wait3A_84 = tpu.memref_slice %arg4[%add3A_6, %dma_wait3A_83] : memref<32768x128xi32, #tpu.memory_space<hbm>> -> memref<128x128xi32, #tpu.memory_space<hbm>>
      %dma_wait3A_85 = arith.constant 0 : i32
      %dma_wait3A_86 = tpu.memref_slice %arg4[%add3A_6, %dma_wait3A_85] : memref<32768x128xi32, #tpu.memory_space<hbm>> -> memref<128x128xi32, #tpu.memory_space<hbm>>
      tpu.wait_dma2 semaphore(%run_scoped3A : memref<!tpu.dma_semaphore, #tpu.memory_space<semaphore_mem>>) src(%arg7 : memref<128x128xi32, #tpu.memory_space<vmem>>) dst(%dma_wait3A_86 : memref<128x128xi32, #tpu.memory_space<hbm>>)
      tpu.yield
    }) : () -> ()
    %add3A_14 = arith.constant 128 : i32
    %add3A_15 = arith.addi %mul3A_2, %add3A_14 : i32
    %add3A_16 = arith.constant 128 : i32
    %add3A_17 = arith.addi %add3A_15, %add3A_16 : i32
    "tpu.region"() ({
      %run_scoped3A = tpu.sem_alloc : memref<!tpu.dma_semaphore, #tpu.memory_space<semaphore_mem>>
      %dma_start3A_79 = tpu.memref_slice %arg3[%add3A_17] : memref<32768xi32, #tpu.memory_space<hbm>> -> memref<128xi32, #tpu.memory_space<hbm>>
      %dma_start3A_80 = tpu.memref_slice %arg3[%add3A_17] : memref<32768xi32, #tpu.memory_space<hbm>> -> memref<128xi32, #tpu.memory_space<hbm>>
      tpu.enqueue_dma source(%dma_start3A_80 : memref<128xi32, #tpu.memory_space<hbm>>) target(%arg5 : memref<128xi32, #tpu.memory_space<vmem>>) target_semaphore(%run_scoped3A : memref<!tpu.dma_semaphore, #tpu.memory_space<semaphore_mem>>)
      %dma_wait3A_81 = tpu.memref_slice %arg3[%add3A_17] : memref<32768xi32, #tpu.memory_space<hbm>> -> memref<128xi32, #tpu.memory_space<hbm>>
      %dma_wait3A_82 = tpu.memref_slice %arg3[%add3A_17] : memref<32768xi32, #tpu.memory_space<hbm>> -> memref<128xi32, #tpu.memory_space<hbm>>
      tpu.wait_dma2 semaphore(%run_scoped3A : memref<!tpu.dma_semaphore, #tpu.memory_space<semaphore_mem>>) src(%dma_wait3A_82 : memref<128xi32, #tpu.memory_space<hbm>>) dst(%arg5 : memref<128xi32, #tpu.memory_space<vmem>>)
      tpu.yield
    }) : () -> ()
    %dma_start3A_18 = arith.constant 0 : i32
    %dma_start3A_19 = arith.constant 0 : i32
    %dma_start3A_20 = tpu.memref_slice %arg2[%dma_start3A_18, %dma_start3A_19] : memref<1024x128xi32, #tpu.memory_space<hbm>> -> memref<1024x128xi32, #tpu.memory_space<hbm>>
    tpu.enqueue_indirect_dma source(%dma_start3A_20 : memref<1024x128xi32, #tpu.memory_space<hbm>>) target(%arg7 : memref<128x128xi32, #tpu.memory_space<vmem>>) offsets(%arg5 : memref<128xi32, #tpu.memory_space<vmem>>) semaphore(%arg9 : memref<!tpu.dma_semaphore, #tpu.memory_space<semaphore_mem>>)
    %dma_wait3A_21 = arith.constant 0 : i32
    %dma_wait3A_22 = arith.constant 0 : i32
    %dma_wait3A_23 = tpu.memref_slice %arg2[%dma_wait3A_21, %dma_wait3A_22] : memref<1024x128xi32, #tpu.memory_space<hbm>> -> memref<1024x128xi32, #tpu.memory_space<hbm>>
    tpu.wait_indirect_dma semaphore(%arg10 : memref<!tpu.dma_semaphore, #tpu.memory_space<semaphore_mem>>) src(%dma_wait3A_23 : memref<1024x128xi32, #tpu.memory_space<hbm>>) dst(%arg8 : memref<128x128xi32, #tpu.memory_space<vmem>>)
    "tpu.region"() ({
      %run_scoped3A = tpu.sem_alloc : memref<!tpu.dma_semaphore, #tpu.memory_space<semaphore_mem>>
      %dma_start3A_79 = arith.constant 0 : i32
      %dma_start3A_80 = tpu.memref_slice %arg4[%add3A_15, %dma_start3A_79] : memref<32768x128xi32, #tpu.memory_space<hbm>> -> memref<128x128xi32, #tpu.memory_space<hbm>>
      %dma_start3A_81 = arith.constant 0 : i32
      %dma_start3A_82 = tpu.memref_slice %arg4[%add3A_15, %dma_start3A_81] : memref<32768x128xi32, #tpu.memory_space<hbm>> -> memref<128x128xi32, #tpu.memory_space<hbm>>
      tpu.enqueue_dma source(%arg8 : memref<128x128xi32, #tpu.memory_space<vmem>>) target(%dma_start3A_82 : memref<128x128xi32, #tpu.memory_space<hbm>>) target_semaphore(%run_scoped3A : memref<!tpu.dma_semaphore, #tpu.memory_space<semaphore_mem>>)
      %dma_wait3A_83 = arith.constant 0 : i32
      %dma_wait3A_84 = tpu.memref_slice %arg4[%add3A_15, %dma_wait3A_83] : memref<32768x128xi32, #tpu.memory_space<hbm>> -> memref<128x128xi32, #tpu.memory_space<hbm>>
      %dma_wait3A_85 = arith.constant 0 : i32
      %dma_wait3A_86 = tpu.memref_slice %arg4[%add3A_15, %dma_wait3A_85] : memref<32768x128xi32, #tpu.memory_space<hbm>> -> memref<128x128xi32, #tpu.memory_space<hbm>>
      tpu.wait_dma2 semaphore(%run_scoped3A : memref<!tpu.dma_semaphore, #tpu.memory_space<semaphore_mem>>) src(%arg8 : memref<128x128xi32, #tpu.memory_space<vmem>>) dst(%dma_wait3A_86 : memref<128x128xi32, #tpu.memory_space<hbm>>)
      tpu.yield
    }) : () -> ()
    %add3A_24 = arith.constant 256 : i32
    %add3A_25 = arith.addi %mul3A_2, %add3A_24 : i32
    %add3A_26 = arith.constant 128 : i32
    %add3A_27 = arith.addi %add3A_25, %add3A_26 : i32
    "tpu.region"() ({
      %run_scoped3A = tpu.sem_alloc : memref<!tpu.dma_semaphore, #tpu.memory_space<semaphore_mem>>
      %dma_start3A_79 = tpu.memref_slice %arg3[%add3A_27] : memref<32768xi32, #tpu.memory_space<hbm>> -> memref<128xi32, #tpu.memory_space<hbm>>
      %dma_start3A_80 = tpu.memref_slice %arg3[%add3A_27] : memref<32768xi32, #tpu.memory_space<hbm>> -> memref<128xi32, #tpu.memory_space<hbm>>
      tpu.enqueue_dma source(%dma_start3A_80 : memref<128xi32, #tpu.memory_space<hbm>>) target(%arg6 : memref<128xi32, #tpu.memory_space<vmem>>) target_semaphore(%run_scoped3A : memref<!tpu.dma_semaphore, #tpu.memory_space<semaphore_mem>>)
      %dma_wait3A_81 = tpu.memref_slice %arg3[%add3A_27] : memref<32768xi32, #tpu.memory_space<hbm>> -> memref<128xi32, #tpu.memory_space<hbm>>
      %dma_wait3A_82 = tpu.memref_slice %arg3[%add3A_27] : memref<32768xi32, #tpu.memory_space<hbm>> -> memref<128xi32, #tpu.memory_space<hbm>>
      tpu.wait_dma2 semaphore(%run_scoped3A : memref<!tpu.dma_semaphore, #tpu.memory_space<semaphore_mem>>) src(%dma_wait3A_82 : memref<128xi32, #tpu.memory_space<hbm>>) dst(%arg6 : memref<128xi32, #tpu.memory_space<vmem>>)
      tpu.yield
    }) : () -> ()
    %dma_start3A_28 = arith.constant 0 : i32
    %dma_start3A_29 = arith.constant 0 : i32
    %dma_start3A_30 = tpu.memref_slice %arg2[%dma_start3A_28, %dma_start3A_29] : memref<1024x128xi32, #tpu.memory_space<hbm>> -> memref<1024x128xi32, #tpu.memory_space<hbm>>
    tpu.enqueue_indirect_dma source(%dma_start3A_30 : memref<1024x128xi32, #tpu.memory_space<hbm>>) target(%arg8 : memref<128x128xi32, #tpu.memory_space<vmem>>) offsets(%arg6 : memref<128xi32, #tpu.memory_space<vmem>>) semaphore(%arg10 : memref<!tpu.dma_semaphore, #tpu.memory_space<semaphore_mem>>)
    %dma_wait3A_31 = arith.constant 0 : i32
    %dma_wait3A_32 = arith.constant 0 : i32
    %dma_wait3A_33 = tpu.memref_slice %arg2[%dma_wait3A_31, %dma_wait3A_32] : memref<1024x128xi32, #tpu.memory_space<hbm>> -> memref<1024x128xi32, #tpu.memory_space<hbm>>
    tpu.wait_indirect_dma semaphore(%arg9 : memref<!tpu.dma_semaphore, #tpu.memory_space<semaphore_mem>>) src(%dma_wait3A_33 : memref<1024x128xi32, #tpu.memory_space<hbm>>) dst(%arg7 : memref<128x128xi32, #tpu.memory_space<vmem>>)
    "tpu.region"() ({
      %run_scoped3A = tpu.sem_alloc : memref<!tpu.dma_semaphore, #tpu.memory_space<semaphore_mem>>
      %dma_start3A_79 = arith.constant 0 : i32
      %dma_start3A_80 = tpu.memref_slice %arg4[%add3A_25, %dma_start3A_79] : memref<32768x128xi32, #tpu.memory_space<hbm>> -> memref<128x128xi32, #tpu.memory_space<hbm>>
      %dma_start3A_81 = arith.constant 0 : i32
      %dma_start3A_82 = tpu.memref_slice %arg4[%add3A_25, %dma_start3A_81] : memref<32768x128xi32, #tpu.memory_space<hbm>> -> memref<128x128xi32, #tpu.memory_space<hbm>>
      tpu.enqueue_dma source(%arg7 : memref<128x128xi32, #tpu.memory_space<vmem>>) target(%dma_start3A_82 : memref<128x128xi32, #tpu.memory_space<hbm>>) target_semaphore(%run_scoped3A : memref<!tpu.dma_semaphore, #tpu.memory_space<semaphore_mem>>)
      %dma_wait3A_83 = arith.constant 0 : i32
      %dma_wait3A_84 = tpu.memref_slice %arg4[%add3A_25, %dma_wait3A_83] : memref<32768x128xi32, #tpu.memory_space<hbm>> -> memref<128x128xi32, #tpu.memory_space<hbm>>
      %dma_wait3A_85 = arith.constant 0 : i32
      %dma_wait3A_86 = tpu.memref_slice %arg4[%add3A_25, %dma_wait3A_85] : memref<32768x128xi32, #tpu.memory_space<hbm>> -> memref<128x128xi32, #tpu.memory_space<hbm>>
      tpu.wait_dma2 semaphore(%run_scoped3A : memref<!tpu.dma_semaphore, #tpu.memory_space<semaphore_mem>>) src(%arg7 : memref<128x128xi32, #tpu.memory_space<vmem>>) dst(%dma_wait3A_86 : memref<128x128xi32, #tpu.memory_space<hbm>>)
      tpu.yield
    }) : () -> ()
    %add3A_34 = arith.constant 384 : i32
    %add3A_35 = arith.addi %mul3A_2, %add3A_34 : i32
    %add3A_36 = arith.constant 128 : i32
    %add3A_37 = arith.addi %add3A_35, %add3A_36 : i32
    "tpu.region"() ({
      %run_scoped3A = tpu.sem_alloc : memref<!tpu.dma_semaphore, #tpu.memory_space<semaphore_mem>>
      %dma_start3A_79 = tpu.memref_slice %arg3[%add3A_37] : memref<32768xi32, #tpu.memory_space<hbm>> -> memref<128xi32, #tpu.memory_space<hbm>>
      %dma_start3A_80 = tpu.memref_slice %arg3[%add3A_37] : memref<32768xi32, #tpu.memory_space<hbm>> -> memref<128xi32, #tpu.memory_space<hbm>>
      tpu.enqueue_dma source(%dma_start3A_80 : memref<128xi32, #tpu.memory_space<hbm>>) target(%arg5 : memref<128xi32, #tpu.memory_space<vmem>>) target_semaphore(%run_scoped3A : memref<!tpu.dma_semaphore, #tpu.memory_space<semaphore_mem>>)
      %dma_wait3A_81 = tpu.memref_slice %arg3[%add3A_37] : memref<32768xi32, #tpu.memory_space<hbm>> -> memref<128xi32, #tpu.memory_space<hbm>>
      %dma_wait3A_82 = tpu.memref_slice %arg3[%add3A_37] : memref<32768xi32, #tpu.memory_space<hbm>> -> memref<128xi32, #tpu.memory_space<hbm>>
      tpu.wait_dma2 semaphore(%run_scoped3A : memref<!tpu.dma_semaphore, #tpu.memory_space<semaphore_mem>>) src(%dma_wait3A_82 : memref<128xi32, #tpu.memory_space<hbm>>) dst(%arg5 : memref<128xi32, #tpu.memory_space<vmem>>)
      tpu.yield
    }) : () -> ()
    %dma_start3A_38 = arith.constant 0 : i32
    %dma_start3A_39 = arith.constant 0 : i32
    %dma_start3A_40 = tpu.memref_slice %arg2[%dma_start3A_38, %dma_start3A_39] : memref<1024x128xi32, #tpu.memory_space<hbm>> -> memref<1024x128xi32, #tpu.memory_space<hbm>>
    tpu.enqueue_indirect_dma source(%dma_start3A_40 : memref<1024x128xi32, #tpu.memory_space<hbm>>) target(%arg7 : memref<128x128xi32, #tpu.memory_space<vmem>>) offsets(%arg5 : memref<128xi32, #tpu.memory_space<vmem>>) semaphore(%arg9 : memref<!tpu.dma_semaphore, #tpu.memory_space<semaphore_mem>>)
    %dma_wait3A_41 = arith.constant 0 : i32
    %dma_wait3A_42 = arith.constant 0 : i32
    %dma_wait3A_43 = tpu.memref_slice %arg2[%dma_wait3A_41, %dma_wait3A_42] : memref<1024x128xi32, #tpu.memory_space<hbm>> -> memref<1024x128xi32, #tpu.memory_space<hbm>>
    tpu.wait_indirect_dma semaphore(%arg10 : memref<!tpu.dma_semaphore, #tpu.memory_space<semaphore_mem>>) src(%dma_wait3A_43 : memref<1024x128xi32, #tpu.memory_space<hbm>>) dst(%arg8 : memref<128x128xi32, #tpu.memory_space<vmem>>)
    "tpu.region"() ({
      %run_scoped3A = tpu.sem_alloc : memref<!tpu.dma_semaphore, #tpu.memory_space<semaphore_mem>>
      %dma_start3A_79 = arith.constant 0 : i32
      %dma_start3A_80 = tpu.memref_slice %arg4[%add3A_35, %dma_start3A_79] : memref<32768x128xi32, #tpu.memory_space<hbm>> -> memref<128x128xi32, #tpu.memory_space<hbm>>
      %dma_start3A_81 = arith.constant 0 : i32
      %dma_start3A_82 = tpu.memref_slice %arg4[%add3A_35, %dma_start3A_81] : memref<32768x128xi32, #tpu.memory_space<hbm>> -> memref<128x128xi32, #tpu.memory_space<hbm>>
      tpu.enqueue_dma source(%arg8 : memref<128x128xi32, #tpu.memory_space<vmem>>) target(%dma_start3A_82 : memref<128x128xi32, #tpu.memory_space<hbm>>) target_semaphore(%run_scoped3A : memref<!tpu.dma_semaphore, #tpu.memory_space<semaphore_mem>>)
      %dma_wait3A_83 = arith.constant 0 : i32
      %dma_wait3A_84 = tpu.memref_slice %arg4[%add3A_35, %dma_wait3A_83] : memref<32768x128xi32, #tpu.memory_space<hbm>> -> memref<128x128xi32, #tpu.memory_space<hbm>>
      %dma_wait3A_85 = arith.constant 0 : i32
      %dma_wait3A_86 = tpu.memref_slice %arg4[%add3A_35, %dma_wait3A_85] : memref<32768x128xi32, #tpu.memory_space<hbm>> -> memref<128x128xi32, #tpu.memory_space<hbm>>
      tpu.wait_dma2 semaphore(%run_scoped3A : memref<!tpu.dma_semaphore, #tpu.memory_space<semaphore_mem>>) src(%arg8 : memref<128x128xi32, #tpu.memory_space<vmem>>) dst(%dma_wait3A_86 : memref<128x128xi32, #tpu.memory_space<hbm>>)
      tpu.yield
    }) : () -> ()
    %add3A_44 = arith.constant 512 : i32
    %add3A_45 = arith.addi %mul3A_2, %add3A_44 : i32
    %add3A_46 = arith.constant 128 : i32
    %add3A_47 = arith.addi %add3A_45, %add3A_46 : i32
    "tpu.region"() ({
      %run_scoped3A = tpu.sem_alloc : memref<!tpu.dma_semaphore, #tpu.memory_space<semaphore_mem>>
      %dma_start3A_79 = tpu.memref_slice %arg3[%add3A_47] : memref<32768xi32, #tpu.memory_space<hbm>> -> memref<128xi32, #tpu.memory_space<hbm>>
      %dma_start3A_80 = tpu.memref_slice %arg3[%add3A_47] : memref<32768xi32, #tpu.memory_space<hbm>> -> memref<128xi32, #tpu.memory_space<hbm>>
      tpu.enqueue_dma source(%dma_start3A_80 : memref<128xi32, #tpu.memory_space<hbm>>) target(%arg6 : memref<128xi32, #tpu.memory_space<vmem>>) target_semaphore(%run_scoped3A : memref<!tpu.dma_semaphore, #tpu.memory_space<semaphore_mem>>)
      %dma_wait3A_81 = tpu.memref_slice %arg3[%add3A_47] : memref<32768xi32, #tpu.memory_space<hbm>> -> memref<128xi32, #tpu.memory_space<hbm>>
      %dma_wait3A_82 = tpu.memref_slice %arg3[%add3A_47] : memref<32768xi32, #tpu.memory_space<hbm>> -> memref<128xi32, #tpu.memory_space<hbm>>
      tpu.wait_dma2 semaphore(%run_scoped3A : memref<!tpu.dma_semaphore, #tpu.memory_space<semaphore_mem>>) src(%dma_wait3A_82 : memref<128xi32, #tpu.memory_space<hbm>>) dst(%arg6 : memref<128xi32, #tpu.memory_space<vmem>>)
      tpu.yield
    }) : () -> ()
    %dma_start3A_48 = arith.constant 0 : i32
    %dma_start3A_49 = arith.constant 0 : i32
    %dma_start3A_50 = tpu.memref_slice %arg2[%dma_start3A_48, %dma_start3A_49] : memref<1024x128xi32, #tpu.memory_space<hbm>> -> memref<1024x128xi32, #tpu.memory_space<hbm>>
    tpu.enqueue_indirect_dma source(%dma_start3A_50 : memref<1024x128xi32, #tpu.memory_space<hbm>>) target(%arg8 : memref<128x128xi32, #tpu.memory_space<vmem>>) offsets(%arg6 : memref<128xi32, #tpu.memory_space<vmem>>) semaphore(%arg10 : memref<!tpu.dma_semaphore, #tpu.memory_space<semaphore_mem>>)
    %dma_wait3A_51 = arith.constant 0 : i32
    %dma_wait3A_52 = arith.constant 0 : i32
    %dma_wait3A_53 = tpu.memref_slice %arg2[%dma_wait3A_51, %dma_wait3A_52] : memref<1024x128xi32, #tpu.memory_space<hbm>> -> memref<1024x128xi32, #tpu.memory_space<hbm>>
    tpu.wait_indirect_dma semaphore(%arg9 : memref<!tpu.dma_semaphore, #tpu.memory_space<semaphore_mem>>) src(%dma_wait3A_53 : memref<1024x128xi32, #tpu.memory_space<hbm>>) dst(%arg7 : memref<128x128xi32, #tpu.memory_space<vmem>>)
    "tpu.region"() ({
      %run_scoped3A = tpu.sem_alloc : memref<!tpu.dma_semaphore, #tpu.memory_space<semaphore_mem>>
      %dma_start3A_79 = arith.constant 0 : i32
      %dma_start3A_80 = tpu.memref_slice %arg4[%add3A_45, %dma_start3A_79] : memref<32768x128xi32, #tpu.memory_space<hbm>> -> memref<128x128xi32, #tpu.memory_space<hbm>>
      %dma_start3A_81 = arith.constant 0 : i32
      %dma_start3A_82 = tpu.memref_slice %arg4[%add3A_45, %dma_start3A_81] : memref<32768x128xi32, #tpu.memory_space<hbm>> -> memref<128x128xi32, #tpu.memory_space<hbm>>
      tpu.enqueue_dma source(%arg7 : memref<128x128xi32, #tpu.memory_space<vmem>>) target(%dma_start3A_82 : memref<128x128xi32, #tpu.memory_space<hbm>>) target_semaphore(%run_scoped3A : memref<!tpu.dma_semaphore, #tpu.memory_space<semaphore_mem>>)
      %dma_wait3A_83 = arith.constant 0 : i32
      %dma_wait3A_84 = tpu.memref_slice %arg4[%add3A_45, %dma_wait3A_83] : memref<32768x128xi32, #tpu.memory_space<hbm>> -> memref<128x128xi32, #tpu.memory_space<hbm>>
      %dma_wait3A_85 = arith.constant 0 : i32
      %dma_wait3A_86 = tpu.memref_slice %arg4[%add3A_45, %dma_wait3A_85] : memref<32768x128xi32, #tpu.memory_space<hbm>> -> memref<128x128xi32, #tpu.memory_space<hbm>>
      tpu.wait_dma2 semaphore(%run_scoped3A : memref<!tpu.dma_semaphore, #tpu.memory_space<semaphore_mem>>) src(%arg7 : memref<128x128xi32, #tpu.memory_space<vmem>>) dst(%dma_wait3A_86 : memref<128x128xi32, #tpu.memory_space<hbm>>)
      tpu.yield
    }) : () -> ()
    %add3A_54 = arith.constant 640 : i32
    %add3A_55 = arith.addi %mul3A_2, %add3A_54 : i32
    %add3A_56 = arith.constant 128 : i32
    %add3A_57 = arith.addi %add3A_55, %add3A_56 : i32
    "tpu.region"() ({
      %run_scoped3A = tpu.sem_alloc : memref<!tpu.dma_semaphore, #tpu.memory_space<semaphore_mem>>
      %dma_start3A_79 = tpu.memref_slice %arg3[%add3A_57] : memref<32768xi32, #tpu.memory_space<hbm>> -> memref<128xi32, #tpu.memory_space<hbm>>
      %dma_start3A_80 = tpu.memref_slice %arg3[%add3A_57] : memref<32768xi32, #tpu.memory_space<hbm>> -> memref<128xi32, #tpu.memory_space<hbm>>
      tpu.enqueue_dma source(%dma_start3A_80 : memref<128xi32, #tpu.memory_space<hbm>>) target(%arg5 : memref<128xi32, #tpu.memory_space<vmem>>) target_semaphore(%run_scoped3A : memref<!tpu.dma_semaphore, #tpu.memory_space<semaphore_mem>>)
      %dma_wait3A_81 = tpu.memref_slice %arg3[%add3A_57] : memref<32768xi32, #tpu.memory_space<hbm>> -> memref<128xi32, #tpu.memory_space<hbm>>
      %dma_wait3A_82 = tpu.memref_slice %arg3[%add3A_57] : memref<32768xi32, #tpu.memory_space<hbm>> -> memref<128xi32, #tpu.memory_space<hbm>>
      tpu.wait_dma2 semaphore(%run_scoped3A : memref<!tpu.dma_semaphore, #tpu.memory_space<semaphore_mem>>) src(%dma_wait3A_82 : memref<128xi32, #tpu.memory_space<hbm>>) dst(%arg5 : memref<128xi32, #tpu.memory_space<vmem>>)
      tpu.yield
    }) : () -> ()
    %dma_start3A_58 = arith.constant 0 : i32
    %dma_start3A_59 = arith.constant 0 : i32
    %dma_start3A_60 = tpu.memref_slice %arg2[%dma_start3A_58, %dma_start3A_59] : memref<1024x128xi32, #tpu.memory_space<hbm>> -> memref<1024x128xi32, #tpu.memory_space<hbm>>
    tpu.enqueue_indirect_dma source(%dma_start3A_60 : memref<1024x128xi32, #tpu.memory_space<hbm>>) target(%arg7 : memref<128x128xi32, #tpu.memory_space<vmem>>) offsets(%arg5 : memref<128xi32, #tpu.memory_space<vmem>>) semaphore(%arg9 : memref<!tpu.dma_semaphore, #tpu.memory_space<semaphore_mem>>)
    %dma_wait3A_61 = arith.constant 0 : i32
    %dma_wait3A_62 = arith.constant 0 : i32
    %dma_wait3A_63 = tpu.memref_slice %arg2[%dma_wait3A_61, %dma_wait3A_62] : memref<1024x128xi32, #tpu.memory_space<hbm>> -> memref<1024x128xi32, #tpu.memory_space<hbm>>
    tpu.wait_indirect_dma semaphore(%arg10 : memref<!tpu.dma_semaphore, #tpu.memory_space<semaphore_mem>>) src(%dma_wait3A_63 : memref<1024x128xi32, #tpu.memory_space<hbm>>) dst(%arg8 : memref<128x128xi32, #tpu.memory_space<vmem>>)
    "tpu.region"() ({
      %run_scoped3A = tpu.sem_alloc : memref<!tpu.dma_semaphore, #tpu.memory_space<semaphore_mem>>
      %dma_start3A_79 = arith.constant 0 : i32
      %dma_start3A_80 = tpu.memref_slice %arg4[%add3A_55, %dma_start3A_79] : memref<32768x128xi32, #tpu.memory_space<hbm>> -> memref<128x128xi32, #tpu.memory_space<hbm>>
      %dma_start3A_81 = arith.constant 0 : i32
      %dma_start3A_82 = tpu.memref_slice %arg4[%add3A_55, %dma_start3A_81] : memref<32768x128xi32, #tpu.memory_space<hbm>> -> memref<128x128xi32, #tpu.memory_space<hbm>>
      tpu.enqueue_dma source(%arg8 : memref<128x128xi32, #tpu.memory_space<vmem>>) target(%dma_start3A_82 : memref<128x128xi32, #tpu.memory_space<hbm>>) target_semaphore(%run_scoped3A : memref<!tpu.dma_semaphore, #tpu.memory_space<semaphore_mem>>)
      %dma_wait3A_83 = arith.constant 0 : i32
      %dma_wait3A_84 = tpu.memref_slice %arg4[%add3A_55, %dma_wait3A_83] : memref<32768x128xi32, #tpu.memory_space<hbm>> -> memref<128x128xi32, #tpu.memory_space<hbm>>
      %dma_wait3A_85 = arith.constant 0 : i32
      %dma_wait3A_86 = tpu.memref_slice %arg4[%add3A_55, %dma_wait3A_85] : memref<32768x128xi32, #tpu.memory_space<hbm>> -> memref<128x128xi32, #tpu.memory_space<hbm>>
      tpu.wait_dma2 semaphore(%run_scoped3A : memref<!tpu.dma_semaphore, #tpu.memory_space<semaphore_mem>>) src(%arg8 : memref<128x128xi32, #tpu.memory_space<vmem>>) dst(%dma_wait3A_86 : memref<128x128xi32, #tpu.memory_space<hbm>>)
      tpu.yield
    }) : () -> ()
    %add3A_64 = arith.constant 768 : i32
    %add3A_65 = arith.addi %mul3A_2, %add3A_64 : i32
    %add3A_66 = arith.constant 128 : i32
    %add3A_67 = arith.addi %add3A_65, %add3A_66 : i32
    "tpu.region"() ({
      %run_scoped3A = tpu.sem_alloc : memref<!tpu.dma_semaphore, #tpu.memory_space<semaphore_mem>>
      %dma_start3A_79 = tpu.memref_slice %arg3[%add3A_67] : memref<32768xi32, #tpu.memory_space<hbm>> -> memref<128xi32, #tpu.memory_space<hbm>>
      %dma_start3A_80 = tpu.memref_slice %arg3[%add3A_67] : memref<32768xi32, #tpu.memory_space<hbm>> -> memref<128xi32, #tpu.memory_space<hbm>>
      tpu.enqueue_dma source(%dma_start3A_80 : memref<128xi32, #tpu.memory_space<hbm>>) target(%arg6 : memref<128xi32, #tpu.memory_space<vmem>>) target_semaphore(%run_scoped3A : memref<!tpu.dma_semaphore, #tpu.memory_space<semaphore_mem>>)
      %dma_wait3A_81 = tpu.memref_slice %arg3[%add3A_67] : memref<32768xi32, #tpu.memory_space<hbm>> -> memref<128xi32, #tpu.memory_space<hbm>>
      %dma_wait3A_82 = tpu.memref_slice %arg3[%add3A_67] : memref<32768xi32, #tpu.memory_space<hbm>> -> memref<128xi32, #tpu.memory_space<hbm>>
      tpu.wait_dma2 semaphore(%run_scoped3A : memref<!tpu.dma_semaphore, #tpu.memory_space<semaphore_mem>>) src(%dma_wait3A_82 : memref<128xi32, #tpu.memory_space<hbm>>) dst(%arg6 : memref<128xi32, #tpu.memory_space<vmem>>)
      tpu.yield
    }) : () -> ()
    %dma_start3A_68 = arith.constant 0 : i32
    %dma_start3A_69 = arith.constant 0 : i32
    %dma_start3A_70 = tpu.memref_slice %arg2[%dma_start3A_68, %dma_start3A_69] : memref<1024x128xi32, #tpu.memory_space<hbm>> -> memref<1024x128xi32, #tpu.memory_space<hbm>>
    tpu.enqueue_indirect_dma source(%dma_start3A_70 : memref<1024x128xi32, #tpu.memory_space<hbm>>) target(%arg8 : memref<128x128xi32, #tpu.memory_space<vmem>>) offsets(%arg6 : memref<128xi32, #tpu.memory_space<vmem>>) semaphore(%arg10 : memref<!tpu.dma_semaphore, #tpu.memory_space<semaphore_mem>>)
    %dma_wait3A_71 = arith.constant 0 : i32
    %dma_wait3A_72 = arith.constant 0 : i32
    %dma_wait3A_73 = tpu.memref_slice %arg2[%dma_wait3A_71, %dma_wait3A_72] : memref<1024x128xi32, #tpu.memory_space<hbm>> -> memref<1024x128xi32, #tpu.memory_space<hbm>>
    tpu.wait_indirect_dma semaphore(%arg9 : memref<!tpu.dma_semaphore, #tpu.memory_space<semaphore_mem>>) src(%dma_wait3A_73 : memref<1024x128xi32, #tpu.memory_space<hbm>>) dst(%arg7 : memref<128x128xi32, #tpu.memory_space<vmem>>)
    "tpu.region"() ({
      %run_scoped3A = tpu.sem_alloc : memref<!tpu.dma_semaphore, #tpu.memory_space<semaphore_mem>>
      %dma_start3A_79 = arith.constant 0 : i32
      %dma_start3A_80 = tpu.memref_slice %arg4[%add3A_65, %dma_start3A_79] : memref<32768x128xi32, #tpu.memory_space<hbm>> -> memref<128x128xi32, #tpu.memory_space<hbm>>
      %dma_start3A_81 = arith.constant 0 : i32
      %dma_start3A_82 = tpu.memref_slice %arg4[%add3A_65, %dma_start3A_81] : memref<32768x128xi32, #tpu.memory_space<hbm>> -> memref<128x128xi32, #tpu.memory_space<hbm>>
      tpu.enqueue_dma source(%arg7 : memref<128x128xi32, #tpu.memory_space<vmem>>) target(%dma_start3A_82 : memref<128x128xi32, #tpu.memory_space<hbm>>) target_semaphore(%run_scoped3A : memref<!tpu.dma_semaphore, #tpu.memory_space<semaphore_mem>>)
      %dma_wait3A_83 = arith.constant 0 : i32
      %dma_wait3A_84 = tpu.memref_slice %arg4[%add3A_65, %dma_wait3A_83] : memref<32768x128xi32, #tpu.memory_space<hbm>> -> memref<128x128xi32, #tpu.memory_space<hbm>>
      %dma_wait3A_85 = arith.constant 0 : i32
      %dma_wait3A_86 = tpu.memref_slice %arg4[%add3A_65, %dma_wait3A_85] : memref<32768x128xi32, #tpu.memory_space<hbm>> -> memref<128x128xi32, #tpu.memory_space<hbm>>
      tpu.wait_dma2 semaphore(%run_scoped3A : memref<!tpu.dma_semaphore, #tpu.memory_space<semaphore_mem>>) src(%arg7 : memref<128x128xi32, #tpu.memory_space<vmem>>) dst(%dma_wait3A_86 : memref<128x128xi32, #tpu.memory_space<hbm>>)
      tpu.yield
    }) : () -> ()
    %add3A_74 = arith.constant 896 : i32
    %add3A_75 = arith.addi %mul3A_2, %add3A_74 : i32
    %dma_wait3A_76 = arith.constant 0 : i32
    %dma_wait3A_77 = arith.constant 0 : i32
    %dma_wait3A_78 = tpu.memref_slice %arg2[%dma_wait3A_76, %dma_wait3A_77] : memref<1024x128xi32, #tpu.memory_space<hbm>> -> memref<1024x128xi32, #tpu.memory_space<hbm>>
    tpu.wait_indirect_dma semaphore(%arg10 : memref<!tpu.dma_semaphore, #tpu.memory_space<semaphore_mem>>) src(%dma_wait3A_78 : memref<1024x128xi32, #tpu.memory_space<hbm>>) dst(%arg8 : memref<128x128xi32, #tpu.memory_space<vmem>>)
    "tpu.region"() ({
      %run_scoped3A = tpu.sem_alloc : memref<!tpu.dma_semaphore, #tpu.memory_space<semaphore_mem>>
      %dma_start3A_79 = arith.constant 0 : i32
      %dma_start3A_80 = tpu.memref_slice %arg4[%add3A_75, %dma_start3A_79] : memref<32768x128xi32, #tpu.memory_space<hbm>> -> memref<128x128xi32, #tpu.memory_space<hbm>>
      %dma_start3A_81 = arith.constant 0 : i32
      %dma_start3A_82 = tpu.memref_slice %arg4[%add3A_75, %dma_start3A_81] : memref<32768x128xi32, #tpu.memory_space<hbm>> -> memref<128x128xi32, #tpu.memory_space<hbm>>
      tpu.enqueue_dma source(%arg8 : memref<128x128xi32, #tpu.memory_space<vmem>>) target(%dma_start3A_82 : memref<128x128xi32, #tpu.memory_space<hbm>>) target_semaphore(%run_scoped3A : memref<!tpu.dma_semaphore, #tpu.memory_space<semaphore_mem>>)
      %dma_wait3A_83 = arith.constant 0 : i32
      %dma_wait3A_84 = tpu.memref_slice %arg4[%add3A_75, %dma_wait3A_83] : memref<32768x128xi32, #tpu.memory_space<hbm>> -> memref<128x128xi32, #tpu.memory_space<hbm>>
      %dma_wait3A_85 = arith.constant 0 : i32
      %dma_wait3A_86 = tpu.memref_slice %arg4[%add3A_75, %dma_wait3A_85] : memref<32768x128xi32, #tpu.memory_space<hbm>> -> memref<128x128xi32, #tpu.memory_space<hbm>>
      tpu.wait_dma2 semaphore(%run_scoped3A : memref<!tpu.dma_semaphore, #tpu.memory_space<semaphore_mem>>) src(%arg8 : memref<128x128xi32, #tpu.memory_space<vmem>>) dst(%dma_wait3A_86 : memref<128x128xi32, #tpu.memory_space<hbm>>)
      tpu.yield
    }) : () -> ()
    return
  }
}

module attributes {stable_mosaic.version = 14 : i64} {
  func.func @_tc_body(%arg0: i32, %arg1: i32, %arg2: memref<1x64x128xf32, #tpu.memory_space<vmem>>, %arg3: memref<1x64x48xf32, #tpu.memory_space<vmem>>, %arg4: memref<1x2048x128xi32, #tpu.memory_space<vmem>>, %arg5: memref<1x2048x16xf32, #tpu.memory_space<vmem>>, %arg6: memref<2048x64xbf16, #tpu.memory_space<vmem>>, %arg7: memref<128x546xbf16, #tpu.memory_space<vmem>>, %arg8: memref<128x546xbf16, #tpu.memory_space<vmem>>, %arg9: memref<16x546xbf16, #tpu.memory_space<vmem>>, %arg10: memref<16x546xbf16, #tpu.memory_space<vmem>>, %arg11: memref<1x546xf32, #tpu.memory_space<vmem>>, %arg12: memref<546x32xbf16, #tpu.memory_space<vmem>>, %arg13: memref<1x32xf32, #tpu.memory_space<vmem>>, %arg14: memref<32x128xbf16, #tpu.memory_space<vmem>>, %arg15: memref<1x128xf32, #tpu.memory_space<vmem>>, %arg16: memref<128x16xbf16, #tpu.memory_space<vmem>>, %arg17: memref<1x16xf32, #tpu.memory_space<vmem>>, %arg18: memref<128x256xbf16, #tpu.memory_space<vmem>>, %arg19: memref<32x256xbf16, #tpu.memory_space<vmem>>, %arg20: memref<1x256xf32, #tpu.memory_space<vmem>>, %arg21: memref<256x128xbf16, #tpu.memory_space<vmem>>, %arg22: memref<1x128xf32, #tpu.memory_space<vmem>>, %arg23: memref<128x16xbf16, #tpu.memory_space<vmem>>, %arg24: memref<1x16xf32, #tpu.memory_space<vmem>>, %arg25: memref<1x128xf32, #tpu.memory_space<vmem>>, %arg26: memref<1x128xf32, #tpu.memory_space<vmem>>, %arg27: memref<1x16xf32, #tpu.memory_space<vmem>>, %arg28: memref<1x16xf32, #tpu.memory_space<vmem>>, %arg29: memref<1x64x128xf32, #tpu.memory_space<vmem>>, %arg30: memref<1x64x16xf32, #tpu.memory_space<vmem>>, %arg31: memref<1x64x16xf32, #tpu.memory_space<vmem>>, %arg32: memref<1x64x16xf32, #tpu.memory_space<vmem>>) attributes {dimension_semantics = [#tpu.dimension_semantics<arbitrary>, #tpu.dimension_semantics<arbitrary>], iteration_bounds = array<i64: 2, 8>, scalar_prefetch = 0 : i64, scratch_operands = 0 : i64, tpu.core_type = #tpu.core_type<tc>, window_params = [{transform_indices = @transform_0, window_bounds = array<i64: 1, 64, 128>}, {transform_indices = @transform_1, window_bounds = array<i64: 1, 64, 48>}, {transform_indices = @transform_2, window_bounds = array<i64: 1, 2048, 128>}, {transform_indices = @transform_3, window_bounds = array<i64: 1, 2048, 16>}, {pipeline_mode = #tpu.pipeline_mode<synchronous>, transform_indices = @transform_4, window_bounds = array<i64: 2048, 64>}, {pipeline_mode = #tpu.pipeline_mode<synchronous>, transform_indices = @transform_5, window_bounds = array<i64: 128, 546>}, {pipeline_mode = #tpu.pipeline_mode<synchronous>, transform_indices = @transform_6, window_bounds = array<i64: 128, 546>}, {pipeline_mode = #tpu.pipeline_mode<synchronous>, transform_indices = @transform_7, window_bounds = array<i64: 16, 546>}, {pipeline_mode = #tpu.pipeline_mode<synchronous>, transform_indices = @transform_8, window_bounds = array<i64: 16, 546>}, {pipeline_mode = #tpu.pipeline_mode<synchronous>, transform_indices = @transform_9, window_bounds = array<i64: 1, 546>}, {pipeline_mode = #tpu.pipeline_mode<synchronous>, transform_indices = @transform_10, window_bounds = array<i64: 546, 32>}, {pipeline_mode = #tpu.pipeline_mode<synchronous>, transform_indices = @transform_11, window_bounds = array<i64: 1, 32>}, {pipeline_mode = #tpu.pipeline_mode<synchronous>, transform_indices = @transform_12, window_bounds = array<i64: 32, 128>}, {pipeline_mode = #tpu.pipeline_mode<synchronous>, transform_indices = @transform_13, window_bounds = array<i64: 1, 128>}, {pipeline_mode = #tpu.pipeline_mode<synchronous>, transform_indices = @transform_14, window_bounds = array<i64: 128, 16>}, {pipeline_mode = #tpu.pipeline_mode<synchronous>, transform_indices = @transform_15, window_bounds = array<i64: 1, 16>}, {pipeline_mode = #tpu.pipeline_mode<synchronous>, transform_indices = @transform_16, window_bounds = array<i64: 128, 256>}, {pipeline_mode = #tpu.pipeline_mode<synchronous>, transform_indices = @transform_17, window_bounds = array<i64: 32, 256>}, {pipeline_mode = #tpu.pipeline_mode<synchronous>, transform_indices = @transform_18, window_bounds = array<i64: 1, 256>}, {pipeline_mode = #tpu.pipeline_mode<synchronous>, transform_indices = @transform_19, window_bounds = array<i64: 256, 128>}, {pipeline_mode = #tpu.pipeline_mode<synchronous>, transform_indices = @transform_20, window_bounds = array<i64: 1, 128>}, {pipeline_mode = #tpu.pipeline_mode<synchronous>, transform_indices = @transform_21, window_bounds = array<i64: 128, 16>}, {pipeline_mode = #tpu.pipeline_mode<synchronous>, transform_indices = @transform_22, window_bounds = array<i64: 1, 16>}, {pipeline_mode = #tpu.pipeline_mode<synchronous>, transform_indices = @transform_23, window_bounds = array<i64: 1, 128>}, {pipeline_mode = #tpu.pipeline_mode<synchronous>, transform_indices = @transform_24, window_bounds = array<i64: 1, 128>}, {pipeline_mode = #tpu.pipeline_mode<synchronous>, transform_indices = @transform_25, window_bounds = array<i64: 1, 16>}, {pipeline_mode = #tpu.pipeline_mode<synchronous>, transform_indices = @transform_26, window_bounds = array<i64: 1, 16>}, {transform_indices = @transform_27, window_bounds = array<i64: 1, 64, 128>}, {transform_indices = @transform_28, window_bounds = array<i64: 1, 64, 16>}, {transform_indices = @transform_29, window_bounds = array<i64: 1, 64, 16>}, {transform_indices = @transform_30, window_bounds = array<i64: 1, 64, 16>}]} {
    %get3A = arith.constant 0 : index
    %get3A_0 = arith.constant 0 : index
    %get3A_1 = arith.constant 0 : index
    %get3A_2 = vector.load %arg2[%get3A, %get3A_0, %get3A_1] : memref<1x64x128xf32, #tpu.memory_space<vmem>>, vector<1x64x128xf32>
    %get3A_3 = vector.shape_cast %get3A_2 : vector<1x64x128xf32> to vector<64x128xf32>
    %get3A_4 = arith.constant 0 : index
    %get3A_5 = arith.constant 0 : index
    %get3A_6 = arith.constant 0 : index
    %get3A_7 = vector.load %arg4[%get3A_4, %get3A_5, %get3A_6] : memref<1x2048x128xi32, #tpu.memory_space<vmem>>, vector<1x2048x128xi32>
    %get3A_8 = vector.shape_cast %get3A_7 : vector<1x2048x128xi32> to vector<2048x128xi32>
    %get3A_9 = arith.constant 0 : index
    %get3A_10 = arith.constant 0 : index
    %get3A_11 = arith.constant 0 : index
    %get3A_12 = vector.load %arg5[%get3A_9, %get3A_10, %get3A_11] : memref<1x2048x16xf32, #tpu.memory_space<vmem>>, vector<1x2048x16xf32>
    %get3A_13 = vector.shape_cast %get3A_12 : vector<1x2048x16xf32> to vector<2048x16xf32>
    %slice3A = vector.extract_strided_slice %get3A_13 {offsets = [0, 1], sizes = [2048, 1], strides = [1, 1]} : vector<2048x16xf32> to vector<2048x1xf32>
    %slice3A_14 = vector.extract_strided_slice %get3A_8 {offsets = [0, 0], sizes = [2048, 64], strides = [1, 1]} : vector<2048x128xi32> to vector<2048x64xi32>
    %slice3A_15 = vector.extract_strided_slice %get3A_8 {offsets = [0, 64], sizes = [2048, 24], strides = [1, 1]} : vector<2048x128xi32> to vector<2048x24xi32>
    %shift_left3A = arith.constant 16 : i32
    %shift_left3A_16 = vector.broadcast %shift_left3A : i32 to vector<2048x64xi32>
    %shift_left3A_17 = arith.shli %slice3A_14, %shift_left3A_16 : vector<2048x64xi32>
    %bitcast_convert_type3A = tpu.bitcast %shift_left3A_17 : vector<2048x64xi32> -> vector<2048x64xf32>
    %convert_element_type3A = arith.truncf %bitcast_convert_type3A : vector<2048x64xf32> to vector<2048x64xbf16>
    %and3A = arith.constant -65536 : i32
    %and3A_18 = vector.broadcast %and3A : i32 to vector<2048x64xi32>
    %and3A_19 = arith.andi %slice3A_14, %and3A_18 : vector<2048x64xi32>
    %bitcast_convert_type3A_20 = tpu.bitcast %and3A_19 : vector<2048x64xi32> -> vector<2048x64xf32>
    %convert_element_type3A_21 = arith.truncf %bitcast_convert_type3A_20 : vector<2048x64xf32> to vector<2048x64xbf16>
    %shift_left3A_22 = arith.constant 16 : i32
    %shift_left3A_23 = vector.broadcast %shift_left3A_22 : i32 to vector<2048x24xi32>
    %shift_left3A_24 = arith.shli %slice3A_15, %shift_left3A_23 : vector<2048x24xi32>
    %bitcast_convert_type3A_25 = tpu.bitcast %shift_left3A_24 : vector<2048x24xi32> -> vector<2048x24xf32>
    %and3A_26 = arith.constant -65536 : i32
    %and3A_27 = vector.broadcast %and3A_26 : i32 to vector<2048x24xi32>
    %and3A_28 = arith.andi %slice3A_15, %and3A_27 : vector<2048x24xi32>
    %bitcast_convert_type3A_29 = tpu.bitcast %and3A_28 : vector<2048x24xi32> -> vector<2048x24xf32>
    %concatenate3A = tpu.concatenate %bitcast_convert_type3A_25, %bitcast_convert_type3A_29 in 1 : vector<2048x24xf32>, vector<2048x24xf32> -> vector<2048x48xf32>
    %reshape3A = vector.shape_cast %concatenate3A : vector<2048x48xf32> to vector<64x32x48xf32>
    %get3A_30 = arith.constant 0 : index
    %get3A_31 = arith.constant 0 : index
    %get3A_32 = arith.constant 0 : index
    %get3A_33 = vector.load %arg3[%get3A_30, %get3A_31, %get3A_32] : memref<1x64x48xf32, #tpu.memory_space<vmem>>, vector<1x64x48xf32>
    %get3A_34 = vector.shape_cast %get3A_33 : vector<1x64x48xf32> to vector<64x48xf32>
    %broadcast_in_dim3A = vector.shape_cast %get3A_34 : vector<64x48xf32> to vector<64x1x48xf32>
    %sub3A = vector.broadcast %broadcast_in_dim3A : vector<64x1x48xf32> to vector<64x32x48xf32>
    %sub3A_35 = arith.subf %sub3A, %reshape3A : vector<64x32x48xf32>
    %mul3A = arith.mulf %sub3A_35, %sub3A_35 : vector<64x32x48xf32>
    %slice3A_36 = vector.extract_strided_slice %mul3A {offsets = [0, 0, 0], sizes = [64, 32, 16], strides = [1, 1, 1]} : vector<64x32x48xf32> to vector<64x32x16xf32>
    %slice3A_37 = vector.extract_strided_slice %mul3A {offsets = [0, 0, 16], sizes = [64, 32, 16], strides = [1, 1, 1]} : vector<64x32x48xf32> to vector<64x32x16xf32>
    %add3A = arith.addf %slice3A_36, %slice3A_37 : vector<64x32x16xf32>
    %slice3A_38 = vector.extract_strided_slice %mul3A {offsets = [0, 0, 32], sizes = [64, 32, 16], strides = [1, 1, 1]} : vector<64x32x48xf32> to vector<64x32x16xf32>
    %add3A_39 = arith.addf %add3A, %slice3A_38 : vector<64x32x16xf32>
    %sqrt3A = math.sqrt %add3A_39 : vector<64x32x16xf32>
    %convert_element_type3A_40 = arith.truncf %get3A_3 : vector<64x128xf32> to vector<64x128xbf16>
    %get3A_41 = arith.constant 0 : index
    %get3A_42 = arith.constant 0 : index
    %get3A_43 = vector.load %arg7[%get3A_41, %get3A_42] : memref<128x546xbf16, #tpu.memory_space<vmem>>, vector<128x546xbf16>
    %dot_general3A = arith.constant dense<0.000000e+00> : vector<64x546xf32>
    %dot_general3A_44 = tpu.matmul %convert_element_type3A_40, %get3A_43, %dot_general3A {dimension_numbers = #tpu.dot_dimension_numbers<[1], [0], [0], [1], [0, 0, 1, 1], [], []>, transpose_lhs_hint = false} : vector<64x128xbf16>, vector<128x546xbf16>, vector<64x546xf32> -> vector<64x546xf32>
    %get3A_45 = arith.constant 0 : index
    %get3A_46 = arith.constant 0 : index
    %get3A_47 = vector.load %arg11[%get3A_45, %get3A_46] : memref<1x546xf32, #tpu.memory_space<vmem>>, vector<1x546xf32>
    %add3A_48 = vector.broadcast %get3A_47 : vector<1x546xf32> to vector<64x546xf32>
    %add3A_49 = arith.addf %dot_general3A_44, %add3A_48 : vector<64x546xf32>
    %convert_element_type3A_50 = arith.truncf %add3A_49 : vector<64x546xf32> to vector<64x546xbf16>
    %get3A_51 = arith.constant 0 : index
    %get3A_52 = arith.constant 0 : index
    %get3A_53 = vector.load %arg6[%get3A_51, %get3A_52] : memref<2048x64xbf16, #tpu.memory_space<vmem>>, vector<2048x64xbf16>
    %reshape3A_54 = vector.shape_cast %sqrt3A : vector<64x32x16xf32> to vector<2048x16xf32>
    %convert_element_type3A_55 = arith.truncf %reshape3A_54 : vector<2048x16xf32> to vector<2048x16xbf16>
    %convert_element_type3A_56 = arith.truncf %get3A_13 : vector<2048x16xf32> to vector<2048x16xbf16>
    %concatenate3A_57 = tpu.concatenate %convert_element_type3A, %convert_element_type3A_21, %get3A_53, %convert_element_type3A_55, %convert_element_type3A_56 in 1 : vector<2048x64xbf16>, vector<2048x64xbf16>, vector<2048x64xbf16>, vector<2048x16xbf16>, vector<2048x16xbf16> -> vector<2048x224xbf16>
    %get3A_58 = arith.constant 0 : index
    %get3A_59 = arith.constant 0 : index
    %get3A_60 = vector.load %arg8[%get3A_58, %get3A_59] : memref<128x546xbf16, #tpu.memory_space<vmem>>, vector<128x546xbf16>
    %get3A_61 = arith.constant 0 : index
    %get3A_62 = arith.constant 0 : index
    %get3A_63 = vector.load %arg9[%get3A_61, %get3A_62] : memref<16x546xbf16, #tpu.memory_space<vmem>>, vector<16x546xbf16>
    %get3A_64 = arith.constant 0 : index
    %get3A_65 = arith.constant 0 : index
    %get3A_66 = vector.load %arg10[%get3A_64, %get3A_65] : memref<16x546xbf16, #tpu.memory_space<vmem>>, vector<16x546xbf16>
    %concatenate3A_67 = tpu.concatenate %get3A_60, %convert_element_type3A_50, %get3A_63, %get3A_66 in 0 : vector<128x546xbf16>, vector<64x546xbf16>, vector<16x546xbf16>, vector<16x546xbf16> -> vector<224x546xbf16>
    %dot_general3A_68 = arith.constant dense<0.000000e+00> : vector<2048x546xf32>
    %dot_general3A_69 = tpu.matmul %concatenate3A_57, %concatenate3A_67, %dot_general3A_68 {dimension_numbers = #tpu.dot_dimension_numbers<[1], [0], [0], [1], [0, 0, 1, 1], [], []>, transpose_lhs_hint = false} : vector<2048x224xbf16>, vector<224x546xbf16>, vector<2048x546xf32> -> vector<2048x546xf32>
    %mul3A_70 = arith.constant 5.000000e-01 : f32
    %mul3A_71 = vector.broadcast %mul3A_70 : f32 to vector<2048x546xf32>
    %mul3A_72 = arith.mulf %mul3A_71, %dot_general3A_69 : vector<2048x546xf32>
    %tanh3A = math.tanh %mul3A_72 : vector<2048x546xf32>
    %mul3A_73 = arith.constant 5.000000e-01 : f32
    %mul3A_74 = vector.broadcast %mul3A_73 : f32 to vector<2048x546xf32>
    %mul3A_75 = arith.mulf %mul3A_74, %tanh3A : vector<2048x546xf32>
    %add3A_76 = arith.constant 5.000000e-01 : f32
    %add3A_77 = vector.broadcast %add3A_76 : f32 to vector<2048x546xf32>
    %add3A_78 = arith.addf %mul3A_75, %add3A_77 : vector<2048x546xf32>
    %mul3A_79 = arith.mulf %dot_general3A_69, %add3A_78 : vector<2048x546xf32>
    %convert_element_type3A_80 = arith.truncf %mul3A_79 : vector<2048x546xf32> to vector<2048x546xbf16>
    %get3A_81 = arith.constant 0 : index
    %get3A_82 = arith.constant 0 : index
    %get3A_83 = vector.load %arg12[%get3A_81, %get3A_82] : memref<546x32xbf16, #tpu.memory_space<vmem>>, vector<546x32xbf16>
    %dot_general3A_84 = arith.constant dense<0.000000e+00> : vector<2048x32xf32>
    %dot_general3A_85 = tpu.matmul %convert_element_type3A_80, %get3A_83, %dot_general3A_84 {dimension_numbers = #tpu.dot_dimension_numbers<[1], [0], [0], [1], [0, 0, 1, 1], [], []>, transpose_lhs_hint = false} : vector<2048x546xbf16>, vector<546x32xbf16>, vector<2048x32xf32> -> vector<2048x32xf32>
    %get3A_86 = arith.constant 0 : index
    %get3A_87 = arith.constant 0 : index
    %get3A_88 = vector.load %arg13[%get3A_86, %get3A_87] : memref<1x32xf32, #tpu.memory_space<vmem>>, vector<1x32xf32>
    %add3A_89 = vector.broadcast %get3A_88 : vector<1x32xf32> to vector<2048x32xf32>
    %add3A_90 = arith.addf %dot_general3A_85, %add3A_89 : vector<2048x32xf32>
    %mul3A_91 = arith.constant 5.000000e-01 : f32
    %mul3A_92 = vector.broadcast %mul3A_91 : f32 to vector<2048x32xf32>
    %mul3A_93 = arith.mulf %mul3A_92, %add3A_90 : vector<2048x32xf32>
    %tanh3A_94 = math.tanh %mul3A_93 : vector<2048x32xf32>
    %mul3A_95 = arith.constant 5.000000e-01 : f32
    %mul3A_96 = vector.broadcast %mul3A_95 : f32 to vector<2048x32xf32>
    %mul3A_97 = arith.mulf %mul3A_96, %tanh3A_94 : vector<2048x32xf32>
    %add3A_98 = arith.constant 5.000000e-01 : f32
    %add3A_99 = vector.broadcast %add3A_98 : f32 to vector<2048x32xf32>
    %add3A_100 = arith.addf %mul3A_97, %add3A_99 : vector<2048x32xf32>
    %mul3A_101 = arith.mulf %add3A_90, %add3A_100 : vector<2048x32xf32>
    %convert_element_type3A_102 = arith.truncf %mul3A_101 : vector<2048x32xf32> to vector<2048x32xbf16>
    %get3A_103 = arith.constant 0 : index
    %get3A_104 = arith.constant 0 : index
    %get3A_105 = vector.load %arg14[%get3A_103, %get3A_104] : memref<32x128xbf16, #tpu.memory_space<vmem>>, vector<32x128xbf16>
    %dot_general3A_106 = arith.constant dense<0.000000e+00> : vector<2048x128xf32>
    %dot_general3A_107 = tpu.matmul %convert_element_type3A_102, %get3A_105, %dot_general3A_106 {dimension_numbers = #tpu.dot_dimension_numbers<[1], [0], [0], [1], [0, 0, 1, 1], [], []>, transpose_lhs_hint = false} : vector<2048x32xbf16>, vector<32x128xbf16>, vector<2048x128xf32> -> vector<2048x128xf32>
    %get3A_108 = arith.constant 0 : index
    %get3A_109 = arith.constant 0 : index
    %get3A_110 = vector.load %arg15[%get3A_108, %get3A_109] : memref<1x128xf32, #tpu.memory_space<vmem>>, vector<1x128xf32>
    %add3A_111 = vector.broadcast %get3A_110 : vector<1x128xf32> to vector<2048x128xf32>
    %add3A_112 = arith.addf %dot_general3A_107, %add3A_111 : vector<2048x128xf32>
    %mul3A_113 = arith.constant 5.000000e-01 : f32
    %mul3A_114 = vector.broadcast %mul3A_113 : f32 to vector<2048x128xf32>
    %mul3A_115 = arith.mulf %mul3A_114, %add3A_112 : vector<2048x128xf32>
    %tanh3A_116 = math.tanh %mul3A_115 : vector<2048x128xf32>
    %mul3A_117 = arith.constant 5.000000e-01 : f32
    %mul3A_118 = vector.broadcast %mul3A_117 : f32 to vector<2048x128xf32>
    %mul3A_119 = arith.mulf %mul3A_118, %tanh3A_116 : vector<2048x128xf32>
    %add3A_120 = arith.constant 5.000000e-01 : f32
    %add3A_121 = vector.broadcast %add3A_120 : f32 to vector<2048x128xf32>
    %add3A_122 = arith.addf %mul3A_119, %add3A_121 : vector<2048x128xf32>
    %mul3A_123 = arith.mulf %add3A_112, %add3A_122 : vector<2048x128xf32>
    %convert_element_type3A_124 = arith.truncf %mul3A_123 : vector<2048x128xf32> to vector<2048x128xbf16>
    %get3A_125 = arith.constant 0 : index
    %get3A_126 = arith.constant 0 : index
    %get3A_127 = vector.load %arg16[%get3A_125, %get3A_126] : memref<128x16xbf16, #tpu.memory_space<vmem>>, vector<128x16xbf16>
    %dot_general3A_128 = arith.constant dense<0.000000e+00> : vector<2048x16xf32>
    %dot_general3A_129 = tpu.matmul %convert_element_type3A_124, %get3A_127, %dot_general3A_128 {dimension_numbers = #tpu.dot_dimension_numbers<[1], [0], [0], [1], [0, 0, 1, 1], [], []>, transpose_lhs_hint = false} : vector<2048x128xbf16>, vector<128x16xbf16>, vector<2048x16xf32> -> vector<2048x16xf32>
    %get3A_130 = arith.constant 0 : index
    %get3A_131 = arith.constant 0 : index
    %get3A_132 = vector.load %arg17[%get3A_130, %get3A_131] : memref<1x16xf32, #tpu.memory_space<vmem>>, vector<1x16xf32>
    %add3A_133 = vector.broadcast %get3A_132 : vector<1x16xf32> to vector<2048x16xf32>
    %add3A_134 = arith.addf %dot_general3A_129, %add3A_133 : vector<2048x16xf32>
    %get3A_135 = arith.constant 0 : index
    %get3A_136 = arith.constant 0 : index
    %get3A_137 = vector.load %arg27[%get3A_135, %get3A_136] : memref<1x16xf32, #tpu.memory_space<vmem>>, vector<1x16xf32>
    %reshape3A_138 = vector.shape_cast %get3A_137 : vector<1x16xf32> to vector<1x1x16xf32>
    %get3A_139 = arith.constant 0 : index
    %get3A_140 = arith.constant 0 : index
    %get3A_141 = vector.load %arg28[%get3A_139, %get3A_140] : memref<1x16xf32, #tpu.memory_space<vmem>>, vector<1x16xf32>
    %reshape3A_142 = vector.shape_cast %get3A_141 : vector<1x16xf32> to vector<1x1x16xf32>
    %mul3A_143 = vector.broadcast %reshape3A_138 : vector<1x1x16xf32> to vector<64x32x16xf32>
    %mul3A_144 = arith.mulf %sqrt3A, %mul3A_143 : vector<64x32x16xf32>
    %add3A_145 = vector.broadcast %reshape3A_142 : vector<1x1x16xf32> to vector<64x32x16xf32>
    %add3A_146 = arith.addf %mul3A_144, %add3A_145 : vector<64x32x16xf32>
    %max3A = arith.constant 9.99999993E-9 : f32
    %max3A_147 = vector.broadcast %max3A : f32 to vector<64x32x16xf32>
    %max3A_148 = arith.maximumf %sqrt3A, %max3A_147 : vector<64x32x16xf32>
    %div3A = arith.divf %add3A_146, %max3A_148 : vector<64x32x16xf32>
    %reshape3A_149 = vector.shape_cast %add3A_134 : vector<2048x16xf32> to vector<64x32x16xf32>
    %mul3A_150 = arith.mulf %reshape3A_149, %div3A : vector<64x32x16xf32>
    %concatenate3A_151 = tpu.concatenate %mul3A_150, %mul3A_150, %mul3A_150 in 2 : vector<64x32x16xf32>, vector<64x32x16xf32>, vector<64x32x16xf32> -> vector<64x32x48xf32>
    %mul3A_152 = arith.mulf %sub3A_35, %concatenate3A_151 : vector<64x32x48xf32>
    %reduce_sum3A = arith.constant dense<0.000000e+00> : vector<64x48xf32>
    %reduce_sum3A_153 = vector.multi_reduction <add>, %mul3A_152, %reduce_sum3A [1] : vector<64x32x48xf32> to vector<64x48xf32>
    %mul3A_154 = vector.broadcast %slice3A : vector<2048x1xf32> to vector<2048x32xf32>
    %mul3A_155 = arith.mulf %mul3A_101, %mul3A_154 : vector<2048x32xf32>
    %convert_element_type3A_156 = arith.truncf %mul3A_155 : vector<2048x32xf32> to vector<2048x32xbf16>
    %get3A_157 = arith.constant 0 : index
    %get3A_158 = arith.constant 0 : index
    %get3A_159 = vector.load %arg6[%get3A_157, %get3A_158] : memref<2048x64xbf16, #tpu.memory_space<vmem>>, vector<2048x64xbf16>
    %dot_general3A_160 = arith.constant dense<0.000000e+00> : vector<64x32xf32>
    %dot_general3A_161 = tpu.matmul %get3A_159, %convert_element_type3A_156, %dot_general3A_160 {dimension_numbers = #tpu.dot_dimension_numbers<[0], [0], [1], [1], [0, 1, 1, 1], [], []>, transpose_lhs_hint = false} : vector<2048x64xbf16>, vector<2048x32xbf16>, vector<64x32xf32> -> vector<64x32xf32>
    %reduce_sum3A_162 = arith.constant dense<0.000000e+00> : vector<64xf32>
    %reduce_sum3A_163 = vector.multi_reduction <add>, %get3A_3, %reduce_sum3A_162 [1] : vector<64x128xf32> to vector<64xf32>
    %broadcast_in_dim3A_164 = vector.shape_cast %reduce_sum3A_163 : vector<64xf32> to vector<64x1xf32>
    %div3A_165 = arith.constant 1.280000e+02 : f32
    %div3A_166 = vector.broadcast %div3A_165 : f32 to vector<64x1xf32>
    %div3A_167 = arith.divf %broadcast_in_dim3A_164, %div3A_166 : vector<64x1xf32>
    %sub3A_168 = vector.broadcast %div3A_167 : vector<64x1xf32> to vector<64x128xf32>
    %sub3A_169 = arith.subf %get3A_3, %sub3A_168 : vector<64x128xf32>
    %integer_pow3A = arith.mulf %sub3A_169, %sub3A_169 : vector<64x128xf32>
    %reduce_sum3A_170 = arith.constant dense<0.000000e+00> : vector<64xf32>
    %reduce_sum3A_171 = vector.multi_reduction <add>, %integer_pow3A, %reduce_sum3A_170 [1] : vector<64x128xf32> to vector<64xf32>
    %broadcast_in_dim3A_172 = vector.shape_cast %reduce_sum3A_171 : vector<64xf32> to vector<64x1xf32>
    %div3A_173 = arith.constant 1.280000e+02 : f32
    %div3A_174 = vector.broadcast %div3A_173 : f32 to vector<64x1xf32>
    %div3A_175 = arith.divf %broadcast_in_dim3A_172, %div3A_174 : vector<64x1xf32>
    %sub3A_176 = vector.broadcast %div3A_167 : vector<64x1xf32> to vector<64x128xf32>
    %sub3A_177 = arith.subf %get3A_3, %sub3A_176 : vector<64x128xf32>
    %add3A_178 = arith.constant 9.99999974E-6 : f32
    %add3A_179 = vector.broadcast %add3A_178 : f32 to vector<64x1xf32>
    %add3A_180 = arith.addf %div3A_175, %add3A_179 : vector<64x1xf32>
    %rsqrt3A = math.rsqrt %add3A_180 : vector<64x1xf32>
    %mul3A_181 = vector.broadcast %rsqrt3A : vector<64x1xf32> to vector<64x128xf32>
    %mul3A_182 = arith.mulf %sub3A_177, %mul3A_181 : vector<64x128xf32>
    %get3A_183 = arith.constant 0 : index
    %get3A_184 = arith.constant 0 : index
    %get3A_185 = vector.load %arg25[%get3A_183, %get3A_184] : memref<1x128xf32, #tpu.memory_space<vmem>>, vector<1x128xf32>
    %mul3A_186 = vector.broadcast %get3A_185 : vector<1x128xf32> to vector<64x128xf32>
    %mul3A_187 = arith.mulf %mul3A_182, %mul3A_186 : vector<64x128xf32>
    %get3A_188 = arith.constant 0 : index
    %get3A_189 = arith.constant 0 : index
    %get3A_190 = vector.load %arg26[%get3A_188, %get3A_189] : memref<1x128xf32, #tpu.memory_space<vmem>>, vector<1x128xf32>
    %add3A_191 = vector.broadcast %get3A_190 : vector<1x128xf32> to vector<64x128xf32>
    %add3A_192 = arith.addf %mul3A_187, %add3A_191 : vector<64x128xf32>
    %convert_element_type3A_193 = arith.truncf %add3A_192 : vector<64x128xf32> to vector<64x128xbf16>
    %get3A_194 = arith.constant 0 : index
    %get3A_195 = arith.constant 0 : index
    %get3A_196 = vector.load %arg18[%get3A_194, %get3A_195] : memref<128x256xbf16, #tpu.memory_space<vmem>>, vector<128x256xbf16>
    %dot_general3A_197 = arith.constant dense<0.000000e+00> : vector<64x256xf32>
    %dot_general3A_198 = tpu.matmul %convert_element_type3A_193, %get3A_196, %dot_general3A_197 {dimension_numbers = #tpu.dot_dimension_numbers<[1], [0], [0], [1], [0, 0, 1, 1], [], []>, transpose_lhs_hint = false} : vector<64x128xbf16>, vector<128x256xbf16>, vector<64x256xf32> -> vector<64x256xf32>
    %convert_element_type3A_199 = arith.truncf %dot_general3A_161 : vector<64x32xf32> to vector<64x32xbf16>
    %get3A_200 = arith.constant 0 : index
    %get3A_201 = arith.constant 0 : index
    %get3A_202 = vector.load %arg19[%get3A_200, %get3A_201] : memref<32x256xbf16, #tpu.memory_space<vmem>>, vector<32x256xbf16>
    %dot_general3A_203 = arith.constant dense<0.000000e+00> : vector<64x256xf32>
    %dot_general3A_204 = tpu.matmul %convert_element_type3A_199, %get3A_202, %dot_general3A_203 {dimension_numbers = #tpu.dot_dimension_numbers<[1], [0], [0], [1], [0, 0, 1, 1], [], []>, transpose_lhs_hint = false} : vector<64x32xbf16>, vector<32x256xbf16>, vector<64x256xf32> -> vector<64x256xf32>
    %add3A_205 = arith.addf %dot_general3A_198, %dot_general3A_204 : vector<64x256xf32>
    %get3A_206 = arith.constant 0 : index
    %get3A_207 = arith.constant 0 : index
    %get3A_208 = vector.load %arg20[%get3A_206, %get3A_207] : memref<1x256xf32, #tpu.memory_space<vmem>>, vector<1x256xf32>
    %add3A_209 = vector.broadcast %get3A_208 : vector<1x256xf32> to vector<64x256xf32>
    %add3A_210 = arith.addf %add3A_205, %add3A_209 : vector<64x256xf32>
    %mul3A_211 = arith.constant 5.000000e-01 : f32
    %mul3A_212 = vector.broadcast %mul3A_211 : f32 to vector<64x256xf32>
    %mul3A_213 = arith.mulf %mul3A_212, %add3A_210 : vector<64x256xf32>
    %tanh3A_214 = math.tanh %mul3A_213 : vector<64x256xf32>
    %mul3A_215 = arith.constant 5.000000e-01 : f32
    %mul3A_216 = vector.broadcast %mul3A_215 : f32 to vector<64x256xf32>
    %mul3A_217 = arith.mulf %mul3A_216, %tanh3A_214 : vector<64x256xf32>
    %add3A_218 = arith.constant 5.000000e-01 : f32
    %add3A_219 = vector.broadcast %add3A_218 : f32 to vector<64x256xf32>
    %add3A_220 = arith.addf %mul3A_217, %add3A_219 : vector<64x256xf32>
    %mul3A_221 = arith.mulf %add3A_210, %add3A_220 : vector<64x256xf32>
    %convert_element_type3A_222 = arith.truncf %mul3A_221 : vector<64x256xf32> to vector<64x256xbf16>
    %get3A_223 = arith.constant 0 : index
    %get3A_224 = arith.constant 0 : index
    %get3A_225 = vector.load %arg21[%get3A_223, %get3A_224] : memref<256x128xbf16, #tpu.memory_space<vmem>>, vector<256x128xbf16>
    %dot_general3A_226 = arith.constant dense<0.000000e+00> : vector<64x128xf32>
    %dot_general3A_227 = tpu.matmul %convert_element_type3A_222, %get3A_225, %dot_general3A_226 {dimension_numbers = #tpu.dot_dimension_numbers<[1], [0], [0], [1], [0, 0, 1, 1], [], []>, transpose_lhs_hint = false} : vector<64x256xbf16>, vector<256x128xbf16>, vector<64x128xf32> -> vector<64x128xf32>
    %get3A_228 = arith.constant 0 : index
    %get3A_229 = arith.constant 0 : index
    %get3A_230 = vector.load %arg22[%get3A_228, %get3A_229] : memref<1x128xf32, #tpu.memory_space<vmem>>, vector<1x128xf32>
    %add3A_231 = vector.broadcast %get3A_230 : vector<1x128xf32> to vector<64x128xf32>
    %add3A_232 = arith.addf %dot_general3A_227, %add3A_231 : vector<64x128xf32>
    %add3A_233 = arith.addf %add3A_232, %get3A_3 : vector<64x128xf32>
    %convert_element_type3A_234 = arith.truncf %add3A_233 : vector<64x128xf32> to vector<64x128xbf16>
    %get3A_235 = arith.constant 0 : index
    %get3A_236 = arith.constant 0 : index
    %get3A_237 = vector.load %arg23[%get3A_235, %get3A_236] : memref<128x16xbf16, #tpu.memory_space<vmem>>, vector<128x16xbf16>
    %dot_general3A_238 = arith.constant dense<0.000000e+00> : vector<64x16xf32>
    %dot_general3A_239 = tpu.matmul %convert_element_type3A_234, %get3A_237, %dot_general3A_238 {dimension_numbers = #tpu.dot_dimension_numbers<[1], [0], [0], [1], [0, 0, 1, 1], [], []>, transpose_lhs_hint = false} : vector<64x128xbf16>, vector<128x16xbf16>, vector<64x16xf32> -> vector<64x16xf32>
    %get3A_240 = arith.constant 0 : index
    %get3A_241 = arith.constant 0 : index
    %get3A_242 = vector.load %arg24[%get3A_240, %get3A_241] : memref<1x16xf32, #tpu.memory_space<vmem>>, vector<1x16xf32>
    %add3A_243 = vector.broadcast %get3A_242 : vector<1x16xf32> to vector<64x16xf32>
    %add3A_244 = arith.addf %dot_general3A_239, %add3A_243 : vector<64x16xf32>
    %mul3A_245 = arith.constant 5.000000e-01 : f32
    %mul3A_246 = vector.broadcast %mul3A_245 : f32 to vector<64x16xf32>
    %mul3A_247 = arith.mulf %mul3A_246, %add3A_244 : vector<64x16xf32>
    %tanh3A_248 = math.tanh %mul3A_247 : vector<64x16xf32>
    %mul3A_249 = arith.constant 5.000000e-01 : f32
    %mul3A_250 = vector.broadcast %mul3A_249 : f32 to vector<64x16xf32>
    %mul3A_251 = arith.mulf %mul3A_250, %tanh3A_248 : vector<64x16xf32>
    %add3A_252 = arith.constant 5.000000e-01 : f32
    %add3A_253 = vector.broadcast %add3A_252 : f32 to vector<64x16xf32>
    %add3A_254 = arith.addf %mul3A_251, %add3A_253 : vector<64x16xf32>
    %add3A_255 = arith.addf %get3A_34, %reduce_sum3A_153 : vector<64x48xf32>
    %swap3A = arith.constant 0 : index
    %swap3A_256 = arith.constant 0 : index
    %swap3A_257 = arith.constant 0 : index
    %swap3A_258 = vector.load %arg29[%swap3A, %swap3A_256, %swap3A_257] : memref<1x64x128xf32, #tpu.memory_space<vmem>>, vector<1x64x128xf32>
    %swap3A_259 = vector.shape_cast %swap3A_258 : vector<1x64x128xf32> to vector<64x128xf32>
    %swap3A_260 = vector.shape_cast %add3A_233 : vector<64x128xf32> to vector<1x64x128xf32>
    tpu.vector_store %arg29[%swap3A, %swap3A_256, %swap3A_257], %swap3A_260 {strides = array<i32>} : memref<1x64x128xf32, #tpu.memory_space<vmem>>, vector<1x64x128xf32>,
    %slice3A_261 = vector.extract_strided_slice %add3A_255 {offsets = [0, 0], sizes = [64, 16], strides = [1, 1]} : vector<64x48xf32> to vector<64x16xf32>
    %mul3A_262 = arith.mulf %slice3A_261, %add3A_254 : vector<64x16xf32>
    %swap3A_263 = arith.constant 0 : index
    %swap3A_264 = arith.constant 0 : index
    %swap3A_265 = arith.constant 0 : index
    %swap3A_266 = vector.load %arg30[%swap3A_263, %swap3A_264, %swap3A_265] : memref<1x64x16xf32, #tpu.memory_space<vmem>>, vector<1x64x16xf32>
    %swap3A_267 = vector.shape_cast %swap3A_266 : vector<1x64x16xf32> to vector<64x16xf32>
    %swap3A_268 = vector.shape_cast %mul3A_262 : vector<64x16xf32> to vector<1x64x16xf32>
    tpu.vector_store %arg30[%swap3A_263, %swap3A_264, %swap3A_265], %swap3A_268 {strides = array<i32>} : memref<1x64x16xf32, #tpu.memory_space<vmem>>, vector<1x64x16xf32>,
    %slice3A_269 = vector.extract_strided_slice %add3A_255 {offsets = [0, 16], sizes = [64, 16], strides = [1, 1]} : vector<64x48xf32> to vector<64x16xf32>
    %mul3A_270 = arith.mulf %slice3A_269, %add3A_254 : vector<64x16xf32>
    %swap3A_271 = arith.constant 0 : index
    %swap3A_272 = arith.constant 0 : index
    %swap3A_273 = arith.constant 0 : index
    %swap3A_274 = vector.load %arg31[%swap3A_271, %swap3A_272, %swap3A_273] : memref<1x64x16xf32, #tpu.memory_space<vmem>>, vector<1x64x16xf32>
    %swap3A_275 = vector.shape_cast %swap3A_274 : vector<1x64x16xf32> to vector<64x16xf32>
    %swap3A_276 = vector.shape_cast %mul3A_270 : vector<64x16xf32> to vector<1x64x16xf32>
    tpu.vector_store %arg31[%swap3A_271, %swap3A_272, %swap3A_273], %swap3A_276 {strides = array<i32>} : memref<1x64x16xf32, #tpu.memory_space<vmem>>, vector<1x64x16xf32>,
    %slice3A_277 = vector.extract_strided_slice %add3A_255 {offsets = [0, 32], sizes = [64, 16], strides = [1, 1]} : vector<64x48xf32> to vector<64x16xf32>
    %mul3A_278 = arith.mulf %slice3A_277, %add3A_254 : vector<64x16xf32>
    %swap3A_279 = arith.constant 0 : index
    %swap3A_280 = arith.constant 0 : index
    %swap3A_281 = arith.constant 0 : index
    %swap3A_282 = vector.load %arg32[%swap3A_279, %swap3A_280, %swap3A_281] : memref<1x64x16xf32, #tpu.memory_space<vmem>>, vector<1x64x16xf32>
    %swap3A_283 = vector.shape_cast %swap3A_282 : vector<1x64x16xf32> to vector<64x16xf32>
    %swap3A_284 = vector.shape_cast %mul3A_278 : vector<64x16xf32> to vector<1x64x16xf32>
    tpu.vector_store %arg32[%swap3A_279, %swap3A_280, %swap3A_281], %swap3A_284 {strides = array<i32>} : memref<1x64x16xf32, #tpu.memory_space<vmem>>, vector<1x64x16xf32>,
    return
  }
  func.func @transform_0(%arg0: i32, %arg1: i32) -> (i32, i32, i32) {
    %c0_i32 = arith.constant 0 : i32
    %c0_i32_0 = arith.constant 0 : i32
    return %arg0, %arg1, %c0_i32 : i32, i32, i32
  }
  func.func @transform_1(%arg0: i32, %arg1: i32) -> (i32, i32, i32) {
    %c0_i32 = arith.constant 0 : i32
    %c0_i32_0 = arith.constant 0 : i32
    return %arg0, %arg1, %c0_i32 : i32, i32, i32
  }
  func.func @transform_2(%arg0: i32, %arg1: i32) -> (i32, i32, i32) {
    %c0_i32 = arith.constant 0 : i32
    %c0_i32_0 = arith.constant 0 : i32
    return %arg0, %arg1, %c0_i32 : i32, i32, i32
  }
  func.func @transform_3(%arg0: i32, %arg1: i32) -> (i32, i32, i32) {
    %c0_i32 = arith.constant 0 : i32
    %c0_i32_0 = arith.constant 0 : i32
    return %arg0, %arg1, %c0_i32 : i32, i32, i32
  }
  func.func @transform_4(%arg0: i32, %arg1: i32) -> (i32, i32) {
    %c0_i32 = arith.constant 0 : i32
    %c0_i32_0 = arith.constant 0 : i32
    %c0_i32_1 = arith.constant 0 : i32
    return %c0_i32, %c0_i32_0 : i32, i32
  }
  func.func @transform_5(%arg0: i32, %arg1: i32) -> (i32, i32) {
    %c0_i32 = arith.constant 0 : i32
    %c0_i32_0 = arith.constant 0 : i32
    %c0_i32_1 = arith.constant 0 : i32
    return %c0_i32, %c0_i32_0 : i32, i32
  }
  func.func @transform_6(%arg0: i32, %arg1: i32) -> (i32, i32) {
    %c0_i32 = arith.constant 0 : i32
    %c0_i32_0 = arith.constant 0 : i32
    %c0_i32_1 = arith.constant 0 : i32
    return %c0_i32, %c0_i32_0 : i32, i32
  }
  func.func @transform_7(%arg0: i32, %arg1: i32) -> (i32, i32) {
    %c0_i32 = arith.constant 0 : i32
    %c0_i32_0 = arith.constant 0 : i32
    %c0_i32_1 = arith.constant 0 : i32
    return %c0_i32, %c0_i32_0 : i32, i32
  }
  func.func @transform_8(%arg0: i32, %arg1: i32) -> (i32, i32) {
    %c0_i32 = arith.constant 0 : i32
    %c0_i32_0 = arith.constant 0 : i32
    %c0_i32_1 = arith.constant 0 : i32
    return %c0_i32, %c0_i32_0 : i32, i32
  }
  func.func @transform_9(%arg0: i32, %arg1: i32) -> (i32, i32) {
    %c0_i32 = arith.constant 0 : i32
    %c0_i32_0 = arith.constant 0 : i32
    %c0_i32_1 = arith.constant 0 : i32
    return %c0_i32, %c0_i32_0 : i32, i32
  }
  func.func @transform_10(%arg0: i32, %arg1: i32) -> (i32, i32) {
    %c0_i32 = arith.constant 0 : i32
    %c0_i32_0 = arith.constant 0 : i32
    %c0_i32_1 = arith.constant 0 : i32
    return %c0_i32, %c0_i32_0 : i32, i32
  }
  func.func @transform_11(%arg0: i32, %arg1: i32) -> (i32, i32) {
    %c0_i32 = arith.constant 0 : i32
    %c0_i32_0 = arith.constant 0 : i32
    %c0_i32_1 = arith.constant 0 : i32
    return %c0_i32, %c0_i32_0 : i32, i32
  }
  func.func @transform_12(%arg0: i32, %arg1: i32) -> (i32, i32) {
    %c0_i32 = arith.constant 0 : i32
    %c0_i32_0 = arith.constant 0 : i32
    %c0_i32_1 = arith.constant 0 : i32
    return %c0_i32, %c0_i32_0 : i32, i32
  }
  func.func @transform_13(%arg0: i32, %arg1: i32) -> (i32, i32) {
    %c0_i32 = arith.constant 0 : i32
    %c0_i32_0 = arith.constant 0 : i32
    %c0_i32_1 = arith.constant 0 : i32
    return %c0_i32, %c0_i32_0 : i32, i32
  }
  func.func @transform_14(%arg0: i32, %arg1: i32) -> (i32, i32) {
    %c0_i32 = arith.constant 0 : i32
    %c0_i32_0 = arith.constant 0 : i32
    %c0_i32_1 = arith.constant 0 : i32
    return %c0_i32, %c0_i32_0 : i32, i32
  }
  func.func @transform_15(%arg0: i32, %arg1: i32) -> (i32, i32) {
    %c0_i32 = arith.constant 0 : i32
    %c0_i32_0 = arith.constant 0 : i32
    %c0_i32_1 = arith.constant 0 : i32
    return %c0_i32, %c0_i32_0 : i32, i32
  }
  func.func @transform_16(%arg0: i32, %arg1: i32) -> (i32, i32) {
    %c0_i32 = arith.constant 0 : i32
    %c0_i32_0 = arith.constant 0 : i32
    %c0_i32_1 = arith.constant 0 : i32
    return %c0_i32, %c0_i32_0 : i32, i32
  }
  func.func @transform_17(%arg0: i32, %arg1: i32) -> (i32, i32) {
    %c0_i32 = arith.constant 0 : i32
    %c0_i32_0 = arith.constant 0 : i32
    %c0_i32_1 = arith.constant 0 : i32
    return %c0_i32, %c0_i32_0 : i32, i32
  }
  func.func @transform_18(%arg0: i32, %arg1: i32) -> (i32, i32) {
    %c0_i32 = arith.constant 0 : i32
    %c0_i32_0 = arith.constant 0 : i32
    %c0_i32_1 = arith.constant 0 : i32
    return %c0_i32, %c0_i32_0 : i32, i32
  }
  func.func @transform_19(%arg0: i32, %arg1: i32) -> (i32, i32) {
    %c0_i32 = arith.constant 0 : i32
    %c0_i32_0 = arith.constant 0 : i32
    %c0_i32_1 = arith.constant 0 : i32
    return %c0_i32, %c0_i32_0 : i32, i32
  }
  func.func @transform_20(%arg0: i32, %arg1: i32) -> (i32, i32) {
    %c0_i32 = arith.constant 0 : i32
    %c0_i32_0 = arith.constant 0 : i32
    %c0_i32_1 = arith.constant 0 : i32
    return %c0_i32, %c0_i32_0 : i32, i32
  }
  func.func @transform_21(%arg0: i32, %arg1: i32) -> (i32, i32) {
    %c0_i32 = arith.constant 0 : i32
    %c0_i32_0 = arith.constant 0 : i32
    %c0_i32_1 = arith.constant 0 : i32
    return %c0_i32, %c0_i32_0 : i32, i32
  }
  func.func @transform_22(%arg0: i32, %arg1: i32) -> (i32, i32) {
    %c0_i32 = arith.constant 0 : i32
    %c0_i32_0 = arith.constant 0 : i32
    %c0_i32_1 = arith.constant 0 : i32
    return %c0_i32, %c0_i32_0 : i32, i32
  }
  func.func @transform_23(%arg0: i32, %arg1: i32) -> (i32, i32) {
    %c0_i32 = arith.constant 0 : i32
    %c0_i32_0 = arith.constant 0 : i32
    %c0_i32_1 = arith.constant 0 : i32
    return %c0_i32, %c0_i32_0 : i32, i32
  }
  func.func @transform_24(%arg0: i32, %arg1: i32) -> (i32, i32) {
    %c0_i32 = arith.constant 0 : i32
    %c0_i32_0 = arith.constant 0 : i32
    %c0_i32_1 = arith.constant 0 : i32
    return %c0_i32, %c0_i32_0 : i32, i32
  }
  func.func @transform_25(%arg0: i32, %arg1: i32) -> (i32, i32) {
    %c0_i32 = arith.constant 0 : i32
    %c0_i32_0 = arith.constant 0 : i32
    %c0_i32_1 = arith.constant 0 : i32
    return %c0_i32, %c0_i32_0 : i32, i32
  }
  func.func @transform_26(%arg0: i32, %arg1: i32) -> (i32, i32) {
    %c0_i32 = arith.constant 0 : i32
    %c0_i32_0 = arith.constant 0 : i32
    %c0_i32_1 = arith.constant 0 : i32
    return %c0_i32, %c0_i32_0 : i32, i32
  }
  func.func @transform_27(%arg0: i32, %arg1: i32) -> (i32, i32, i32) {
    %c0_i32 = arith.constant 0 : i32
    %c0_i32_0 = arith.constant 0 : i32
    return %arg0, %arg1, %c0_i32 : i32, i32, i32
  }
  func.func @transform_28(%arg0: i32, %arg1: i32) -> (i32, i32, i32) {
    %c0_i32 = arith.constant 0 : i32
    %c0_i32_0 = arith.constant 0 : i32
    return %arg0, %arg1, %c0_i32 : i32, i32, i32
  }
  func.func @transform_29(%arg0: i32, %arg1: i32) -> (i32, i32, i32) {
    %c0_i32 = arith.constant 0 : i32
    %c0_i32_0 = arith.constant 0 : i32
    return %arg0, %arg1, %c0_i32 : i32, i32, i32
  }
  func.func @transform_30(%arg0: i32, %arg1: i32) -> (i32, i32, i32) {
    %c0_i32 = arith.constant 0 : i32
    %c0_i32_0 = arith.constant 0 : i32
    return %arg0, %arg1, %c0_i32 : i32, i32, i32
  }
}

</mosaic_0001>

<sc_bundles>
// kernel: kernel.4.cloned.1.call-start
scs
__scs_entry_jumppad:
0x0: {  	(pc) =	sbr.rel $0x88, $3  }
0x1: {  	(tag) =	ssettag $0x0;
	lr =	simm.s32 $0x1  }
0x2: {  	[smem:$0x3F8A] =	sst lr;
	_ =	strace $0xD0000000  }
0x3: {  	_ = 	snop  }
0x4: {  	_ = 	snop  }
0x5: {  	_ = 	snop  }
0x6: {  	_ = 	snop  }
0x7: {  	_ = 	snop  }
__scs_overlays_trampoline_lowered:
0x8: {  	[smem:$0x3F99] =	sst s0  }
0x9: {  	[smem:$0x3F9A] =	sst s1  }
0xa: {  	[smem:$0x3F9B] =	sst s2  }
0xb: {  	[smem:$0x3F9C] =	sst s3  }
0xc: {  	[smem:$0x3F9D] =	sst s4  }
0xd: {  	[smem:$0x3F9E] =	sst s5  }
0xe: {  	[smem:$0x3F9F] =	sst s6  }
0xf: {  	[smem:$0x3FA0] =	sst s7  }
0x10: {  	[smem:$0x3FA1] =	sst s8  }
0x11: {  	[smem:$0x3FA2] =	sst s9;
	s0 =	simm.s32 @!p0 $0x0  }
0x12: {  	s1 =	sld [smem:$0x3F88];
	s0 =	simm.s32 @p0 $0x1  }
0x13: {  	[smem:$0x3FA3] =	sst s0;
	s0 =	simm.s32 @!p1 $0x0  }
0x14: {  	s2 =	sld [smem:$0x3F87];
	s0 =	simm.s32 @p1 $0x1  }
0x15: {  	[smem:$0x3FA4] =	sst s0;
	s0 =	simm.s32 @!p2 $0x0  }
0x16: {  	s3 =	sld [smem:$0x3FDB];
	s0 =	simm.s32 @p2 $0x1  }
0x17: {  	s4 =	simm.s32 $0x1BF5;
	[smem:$0x3FA6] =	sst s0  }
0x18: {  	s0 =	sld [smem:$0x3F89];
	_ =	swait.ge [sflag:s4], $0x0  }
0x19: {  	s7 =	sld [smem:$0x3F8A]  }
0x1a: {  	s8 =	sadd.s32 $0xFFFFE003, lr  }
0x1b: {  	s9 =	sadd.s32 $0xFFFFFEF7, lr;
	s5 =	simm.s32 $0xFFFFFFFF;
	p2 =	slt.u32 s8, $0xFFFFF086  }
0x1c: {  	p1 =	slt.u32 s9, $0xF7A;
	s5 =	simm.s32 @!p2 $0x0  }
0x1d: {  	s5 =	simm.s32 @p1 $0x1;
	p0 =	seq.s32 s7, s2  }
0x1e: {  	s7 =	smul.u32 @!p0 $0xF7A, s2;
	p2 =	seq.s32 @!p0 s5, $0x0  }
0x1f: {  	s9 =	smul.u32 $0xF7A, s1;
	s8 =	simm.s32 @!p0 $0x1BF5;
	p2 =	por !p2, p0  }
0x20: {  	[sflag:s8] =	ssyncset.s32 @!p0 $0xFFFFF086;
	s6 =	sadd.s32 @!p0 s3, s7;
	s7 =	simm.s32 @!p0 $0x108  }
0x21: {  	s3 =	sadd.s32 s3, s9;
	s6 =	sadd.s32 @!p0 $0x88, s6;
	s7 =	simm.s32 @p2 $0x1082  }
0x22: {  	[simem:s7], [sflag:s8] =	dma.local @!p0 [hbm:s6], $0xF7A  }
0x23: {  	s9 =	sor.u32 $0xD0000000, s2;
	s6 =	simm.s32 $0x108;
	_ =	swait.ge @!p0 [sflag:s8], $0x0  }
0x24: {  	s3 =	sadd.s32 $0x88, s3;
	s6 =	simm.s32 @!p1 $0x1082;
	[sflag:s4] =	ssyncset.s32 $0xFFFFF086  }
0x25: {  	[simem:s6], [sflag:s4] =	dma.local [hbm:s3], $0xF7A  }
0x26: {  	[smem:$0x3F8A] =	sst s1;
	(tag) =	ssettag s2;
	_ =	strace s9  }
0x27: {  	s1 =	sld [smem:$0x3F9A]  }
0x28: {  	s2 =	sld [smem:$0x3F9B]  }
0x29: {  	s4 =	sld [smem:$0x3F9D]  }
0x2a: {  	p0 =	seq.s32 s5, $0x0;
	s5 =	sld [smem:$0x3F9E]  }
0x2b: {  	s6 =	sld [smem:$0x3F9F]  }
0x2c: {  	s7 =	sld [smem:$0x3FA0]  }
0x2d: {  	s3 =	simm.s32 $0x108;
	s8 =	sld [smem:$0x3FA1]  }
0x2e: {  	s3 =	simm.s32 @!p0 $0x1082;
	s9 =	sld [smem:$0x3FA2]  }
0x2f: {  	lr =	sadd.s32 s0, s3;
	s0 =	sld [smem:$0x3F99]  }
0x30: {  	s3 =	sld [smem:$0x3F9C]  }
0x31: {  	[smem:$0x3FA5] =	sst s10  }
0x32: {  	s10 =	sld [smem:$0x3FA3];
	_ =	sdelay $0x3  }
0x33: {  	p0 =	seq.s32 s10, $0x1;
	s10 =	sld [smem:$0x3FA5];
	_ =	sdelay $0x3  }
0x34: {  	[smem:$0x3FA5] =	sst s10  }
0x35: {  	s10 =	sld [smem:$0x3FA4];
	_ =	sdelay $0x3  }
0x36: {  	p1 =	seq.s32 s10, $0x1;
	s10 =	sld [smem:$0x3FA5];
	_ =	sdelay $0x3  }
0x37: {  	[smem:$0x3FA5] =	sst s10  }
0x38: {  	s10 =	sld [smem:$0x3FA6]  }
0x39: {  	_ = 	snop;
	(pc) =	sbr.ind lr, $3  }
0x3a: {  	_ = 	snop  }
0x3b: {  	_ = 	snop  }
0x3c: {  	p2 =	seq.s32 s10, $0x1;
	s10 =	sld [smem:$0x3FA5]  }
0x3d: {  	_ =	shalt  }
0x3e: {  	_ =	shalt  }
0x3f: {  	_ =	shalt  }
0x40: {  	_ =	shalt  }
0x41: {  	_ =	shalt  }
0x42: {  	_ =	shalt  }
0x43: {  	_ =	shalt  }
0x44: {  	_ =	shalt  }
0x45: {  	_ =	shalt  }
0x46: {  	_ =	shalt  }
0x47: {  	_ =	shalt  }
0x48: {  	_ =	shalt  }
0x49: {  	_ =	shalt  }
0x4a: {  	_ =	shalt  }
0x4b: {  	_ =	shalt  }
0x4c: {  	_ =	shalt  }
0x4d: {  	_ =	shalt  }
0x4e: {  	_ =	shalt  }
0x4f: {  	_ =	shalt  }
0x50: {  	_ =	shalt  }
0x51: {  	_ =	shalt  }
0x52: {  	_ =	shalt  }
0x53: {  	_ =	shalt  }
0x54: {  	_ =	shalt  }
0x55: {  	_ =	shalt  }
0x56: {  	_ =	shalt  }
0x57: {  	_ =	shalt  }
0x58: {  	_ =	shalt  }
0x59: {  	_ =	shalt  }
0x5a: {  	_ =	shalt  }
0x5b: {  	_ =	shalt  }
0x5c: {  	_ =	shalt  }
0x5d: {  	_ =	shalt  }
0x5e: {  	_ =	shalt  }
0x5f: {  	_ =	shalt  }
0x60: {  	_ =	shalt  }
0x61: {  	_ =	shalt  }
0x62: {  	_ =	shalt  }
0x63: {  	_ =	shalt  }
0x64: {  	_ =	shalt  }
0x65: {  	_ =	shalt  }
0x66: {  	_ =	shalt  }
0x67: {  	_ =	shalt  }
0x68: {  	_ =	shalt  }
0x69: {  	_ =	shalt  }
0x6a: {  	_ =	shalt  }
0x6b: {  	_ =	shalt  }
0x6c: {  	_ =	shalt  }
0x6d: {  	_ =	shalt  }
0x6e: {  	_ =	shalt  }
0x6f: {  	_ =	shalt  }
0x70: {  	_ =	shalt  }
0x71: {  	_ =	shalt  }
0x72: {  	_ =	shalt  }
0x73: {  	_ =	shalt  }
0x74: {  	_ =	shalt  }
0x75: {  	_ =	shalt  }
0x76: {  	_ =	shalt  }
0x77: {  	_ =	shalt  }
0x78: {  	_ =	shalt  }
0x79: {  	_ =	shalt  }
0x7a: {  	_ =	shalt  }
0x7b: {  	_ =	shalt  }
0x7c: {  	_ =	shalt  }
0x7d: {  	_ =	shalt  }
0x7e: {  	_ =	shalt  }
0x7f: {  	_ =	shalt  }
0x80: {  	_ =	shalt  }
0x81: {  	_ =	shalt  }
0x82: {  	_ =	shalt  }
0x83: {  	_ =	shalt  }
0x84: {  	_ =	shalt  }
0x85: {  	_ =	shalt  }
0x86: {  	_ =	shalt  }
0x87: {  	_ =	shalt  }
.Lfunc_end0:
.L_simem_size_0:
called_computation_lowered:
.L_overlay_start_0:
0x88: {  	s2 =	sld [smem:$0x3FD9]  }
0x89: {  	s3 =	sld [smem:$0x3FFE];
	_ =	sdelay $0x1  }
0x8a: {  	s1 =	srdreg.scid  }
0x8b: {  	s0 =	sand.u32 $0x1, s1  }
0x8c: {  	s14 =	sshll.u32 s0, $0xA;
	s2 =	sadd.s32 s3, s2  }
0x8d: {  	s2 =	sadd.s32 s2, s14  }
0x8e: {  	[smem:$0x3FB1] =	sst s2  }
0x8f: {  	_ = 	snop  }
0x90: {  	s2 =	sld [smem:$0x3FD0];
	_ =	sdelay $0x2  }
0x91: {  	s15 =	simm.s32 $0xA;
	s4 =	simm.s32 $0x10  }
0x92: {  	[smem:s4], [sflag:s15] =	dma.local [hbm:s2], $0x1  }
0x93: {  	_ =	swait.eq [sflag:s15], $0x1  }
0x94: {  	[sflag:s15] =	ssyncset.done $0x0  }
0x95: {  	s16 =	sld [smem:$0x10];
	[sflag:s15] =	ssyncadd.s32 $0xFFFFFFFF  }
0x96: {  	s17 =	sld [smem:$0x11];
	(tm) =	ssettm $0x1  }
0x97: {  	s18 =	sld [smem:$0x3FFB];
	_ =	sdelay $0x3  }
0x98: {  	_ =	strace s18  }
0x99: {  	s4 =	sld [smem:$0x3FFC];
	_ =	sdelay $0x3  }
0x9a: {  	_ =	strace s4  }
0x9b: {  	s4 =	sld [smem:$0x3FFD];
	_ =	sdelay $0x3  }
0x9c: {  	_ =	strace s4  }
0x9d: {  	_ =	strace $0x8FFFFFFF  }
0x9e: {  	s19 =	sld [smem:$0x3FDB];
	_ =	sdelay $0x1  }
0x9f: {  	s5 =	simm.s32 $_scs_section_size  }
0xa0: {  	s6 =	simm.s32 $_size__tile_overlayer_lowered;
	s7 =	simm.s32 $_tile_overlayer_lowered  }
0xa1: {  	s22 =	simm.s32 $0x1BFF;
	s21 =	sshll.u32 s7, $0x1;
	s4 =	sadd.s32 s5, s19  }
0xa2: {  	s8 =	simm.s32 $0x0;
	s20 =	sshll.u32 s6, $0x1;
	s6 =	sadd.s32 s21, s4  }
0xa3: {  	[timem:s8], [sflag:s22] =	dma.local [hbm:s6], s20  }
0xa4: {  	_ =	swait.ge [sflag:s22], s20  }
0xa5: {  	s5 =	ssub.s32 $0x0, s20;
	[sflag:s22] =	ssyncset.done $0x0  }
0xa6: {  	[sflag:s22] =	ssyncadd.s32 s5;
	_ =	sdelay $0x1  }
0xa7: {  	s23 =	simm.s32 $0x1B8B  }
0xa8: {  	_ =	swait.ge [sflag:s23], $0x1  }
0xa9: {  	[sflag:s23] =	ssyncset.done $0x0  }
0xaa: {  	s25 =	simm.s32 $0x1B8E;
	s24 =	sld [smem:$0x3FFE];
	[sflag:s23] =	ssyncadd.s32 $0xFFFFFFFF  }
0xab: {  	s26 =	simm.s32 $execute0_lowered;
	[smem:$0x3FD2] =	sst s25  }
0xac: {  	s6 =	sshll.u32 s26, $0x1;
	_ =	strace $0x80000046;
	[dreg:$0x1] =	wrdreg $0xFFFFFFFF  }
0xad: {  	s28 =	simm.s32 $_size_execute0_lowered;
	s4 =	sadd.s32 s4, s6;
	[dreg:$0x0] =	wrdreg $0x0  }
0xae: {  	s6 =	sshll.u32 s28, $0x1;
	[dreg:$0x2] =	wrdreg s4  }
0xaf: {  	[dreg:$0x3] =	wrdreg s6  }
0xb0: {  	[dreg:$0x4] =	wrdreg $0xC0  }
0xb1: {  	_ =	task [dreg:s8], $0x5FFFF  }
0xb2: {  	[dreg:$0x1] =	wrdreg $0xFFFFFFFF  }
0xb3: {  	[dreg:$0x0] =	wrdreg $0x60  }
0xb4: {  	[dreg:$0x2] =	wrdreg s16  }
0xb5: {  	[dreg:$0x3] =	wrdreg s17  }
0xb6: {  	[dreg:$0x4] =	wrdreg s24  }
0xb7: {  	[dreg:$0x5] =	wrdreg $0x9  }
0xb8: {  	_ =	task.clear_ibuf [dreg:s8], $0x6FFFF;
	_ =	strace $0x90000046  }
0xb9: {  	s29 =	simm.s32 $0x9;
	_ =	strace $0x80000048  }
0xba: {  	_ =	swait.ge [sflag:s29], $0x1  }
0xbb: {  	[sflag:s29] =	ssyncadd.s32 $0xFFFFFFFF  }
0xbc: {  	_ =	strace $0x90000048  }
0xbd: {  	_ =	sfence  }
0xbe: {  	s30 =	sld [smem:$0x0];
	_ =	sdelay $0x2  }
0xbf: {  	s31 =	sshll.u32 s1, $0xD;
	s1 =	sshrl.u32 s1, $0x2  }
0xc0: {  	s3 =	sand.u32 $0x4000, s31;
	s1 =	sadd.s32 s1, s30  }
0xc1: {  	s0 =	sor.u32 s3, s0;
	s1 =	sshll.u32 s1, $0x11  }
0xc2: {  	s0 =	sor.u32 s1, s0  }
0xc3: {  	s0 =	sadd.s32 $0x8F2B, s0  }
0xc4: {  	[sflag:s0] =	ssyncadd.remote.s32 $0x1  }
0xc5: {  	_ =	sfence.sel $0xFFFF  }
0xc6: {  	[dreg:$0x0] =	wrdreg $0xFFFFFFFF;
	(pc) =	sbr.abs _section_cstart, $3  }
0xc7: {  	[dreg:$0x1] =	wrdreg $0xFFFFFFFF  }
0xc8: {  	_ =	task.clear_ibuf [dreg:s8], $0x2FFFF;
	_ =	strace $0x9FFFFFFF  }
0xc9: {  	(tm) =	ssettm $0x7FFFFFFF  }
tec
execute0_lowered:
.L_overlay_start_1:
0x0: {  	(tag) =	ssettag $0x1  }
0x1: {  	s1 =	rddreg [dreg:$0x0];
	s2 =	srdreg.scid  }
0x2: {  	s23 =	rddreg [dreg:$0x1];
	s0 =	stileid.u32;
	s25 =	sand.u32 $0x1, s2  }
0x3: {  	s11 =	rddreg [dreg:$0x2];
	s4 =	sshll.u32 s0, $0xB;
	s5 =	sshll.u32 s25, $0xA  }
0x4: {  	s3 =	simm.s32 $0x0;
	s2 =	rddreg [dreg:$0x3];
	s24 =	sor.u32 s5, s4  }
0x5: {  	[smem:$0x7FF] =	sst s3;
	s4 =	sshrl.u32 s24, $0x3  }
0x6: {  	_ =	strace $0x80000047;
	s5 =	sadd.s32 s23, s4;
	s4 =	simm.s32 $0x3  }
0x7: {  	[tilespmem:s3], [sflag:$0x3] =	stream.linear.gather [hbm4b:s5+s3], $0x80, $0x38;
	[tilespmem:$0x8100] =	vst v63  }
0x8: {  	_ =	swait.ge [sflag:s4], $0x80  }
0x9: {  	s6 =	simm.s32 $0x80;
	s14 =	sor.u32 $0x80, s24;
	[sflag:s4] =	ssyncset.done $0x0  }
0xa: {  	s7 =	simm.s32 $0x100;
	s8 =	sshrl.u32 s14, $0x3;
	[sflag:s4] =	ssyncadd.s32 $0xFFFFFF80  }
0xb: {  	[tilespmem:s7], [sflag:$0x1] =	stream.indirect.gather [hbm4b:s1+s6], $0x80, s3, s6, $0xb8;
	[tilespmem:$0x8100] =	vst v63  }
0xc: {  	s8 =	sadd.s32 s23, s8  }
0xd: {  	[tilespmem:s6], [sflag:$0x3] =	stream.linear.gather [hbm4b:s8+s3], $0x80, $0x38;
	[tilespmem:$0x8100] =	vst v63  }
0xe: {  	_ =	swait.ge [sflag:s4], $0x80  }
0xf: {  	[sflag:s4] =	ssyncset.done $0x0  }
0x10: {  	s9 =	simm.s32 $0x4100;
	s10 =	simm.s32 $0x1;
	[sflag:s4] =	ssyncadd.s32 $0xFFFFFF80  }
0x11: {  	[tilespmem:s9], [sflag:$0x2] =	stream.indirect.gather [hbm4b:s1+s6], $0x80, s6, s6, $0xb8;
	[tilespmem:$0x8100] =	vst v63  }
0x12: {  	_ =	swait.ge [sflag:s10], $0x4000  }
0x13: {  	s26 =	sadd.s32 $0x3800, s11;
	s29 =	sshll.u32 s24, $0x4;
	[sflag:s10] =	ssyncset.done $0x0  }
0x14: {  	s11 =	sadd.s32 s26, s29;
	[sflag:s10] =	ssyncadd.s32 $0xFFFFC000  }
0x15: {  	[hbm4b:s11+s3] =	stream.linear.scatter [tilespmem:s7], [sflag:$0x3], $0x4000, $0x38;
	[tilespmem:$0x8100] =	vst v63  }
0x16: {  	s16 =	sor.u32 $0x100, s24;
	_ =	swait.ge [sflag:s4], $0x4000  }
0x17: {  	s12 =	sshrl.u32 s16, $0x3;
	[sflag:s4] =	ssyncset.done $0x0  }
0x18: {  	s12 =	sadd.s32 s23, s12;
	[sflag:s4] =	ssyncadd.s32 $0xFFFFC000  }
0x19: {  	[tilespmem:s3], [sflag:$0x3] =	stream.linear.gather [hbm4b:s12+s3], $0x80, $0x38;
	[tilespmem:$0x8100] =	vst v63  }
0x1a: {  	_ =	swait.ge [sflag:s4], $0x80  }
0x1b: {  	[sflag:s4] =	ssyncset.done $0x0  }
0x1c: {  	s13 =	simm.s32 $0x2;
	[sflag:s4] =	ssyncadd.s32 $0xFFFFFF80  }
0x1d: {  	[tilespmem:s7], [sflag:$0x1] =	stream.indirect.gather [hbm4b:s1+s6], $0x80, s3, s6, $0xb8;
	[tilespmem:$0x8100] =	vst v63  }
0x1e: {  	_ =	swait.ge [sflag:s13], $0x4000  }
0x1f: {  	s14 =	sshll.u32 s14, $0x4;
	[sflag:s13] =	ssyncset.done $0x0  }
0x20: {  	s14 =	sadd.s32 s26, s14;
	[sflag:s13] =	ssyncadd.s32 $0xFFFFC000  }
0x21: {  	[hbm4b:s14+s3] =	stream.linear.scatter [tilespmem:s9], [sflag:$0x3], $0x4000, $0x38;
	[tilespmem:$0x8100] =	vst v63  }
0x22: {  	s18 =	sor.u32 $0x180, s24;
	_ =	swait.ge [sflag:s4], $0x4000  }
0x23: {  	s15 =	sshrl.u32 s18, $0x3;
	[sflag:s4] =	ssyncset.done $0x0  }
0x24: {  	s15 =	sadd.s32 s23, s15;
	[sflag:s4] =	ssyncadd.s32 $0xFFFFC000  }
0x25: {  	[tilespmem:s6], [sflag:$0x3] =	stream.linear.gather [hbm4b:s15+s3], $0x80, $0x38;
	[tilespmem:$0x8100] =	vst v63  }
0x26: {  	_ =	swait.ge [sflag:s4], $0x80  }
0x27: {  	[sflag:s4] =	ssyncset.done $0x0  }
0x28: {  	[sflag:s4] =	ssyncadd.s32 $0xFFFFFF80  }
0x29: {  	[tilespmem:s9], [sflag:$0x2] =	stream.indirect.gather [hbm4b:s1+s6], $0x80, s6, s6, $0xb8;
	[tilespmem:$0x8100] =	vst v63  }
0x2a: {  	_ =	swait.ge [sflag:s10], $0x4000  }
0x2b: {  	s16 =	sshll.u32 s16, $0x4;
	[sflag:s10] =	ssyncset.done $0x0  }
0x2c: {  	s16 =	sadd.s32 s26, s16;
	[sflag:s10] =	ssyncadd.s32 $0xFFFFC000  }
0x2d: {  	[hbm4b:s16+s3] =	stream.linear.scatter [tilespmem:s7], [sflag:$0x3], $0x4000, $0x38;
	[tilespmem:$0x8100] =	vst v63  }
0x2e: {  	s20 =	sor.u32 $0x200, s24;
	_ =	swait.ge [sflag:s4], $0x4000  }
0x2f: {  	s17 =	sshrl.u32 s20, $0x3;
	[sflag:s4] =	ssyncset.done $0x0  }
0x30: {  	s17 =	sadd.s32 s23, s17;
	[sflag:s4] =	ssyncadd.s32 $0xFFFFC000  }
0x31: {  	[tilespmem:s3], [sflag:$0x3] =	stream.linear.gather [hbm4b:s17+s3], $0x80, $0x38;
	[tilespmem:$0x8100] =	vst v63  }
0x32: {  	_ =	swait.ge [sflag:s4], $0x80  }
0x33: {  	[sflag:s4] =	ssyncset.done $0x0  }
0x34: {  	[sflag:s4] =	ssyncadd.s32 $0xFFFFFF80  }
0x35: {  	[tilespmem:s7], [sflag:$0x1] =	stream.indirect.gather [hbm4b:s1+s6], $0x80, s3, s6, $0xb8;
	[tilespmem:$0x8100] =	vst v63  }
0x36: {  	_ =	swait.ge [sflag:s13], $0x4000  }
0x37: {  	s18 =	sshll.u32 s18, $0x4;
	[sflag:s13] =	ssyncset.done $0x0  }
0x38: {  	s18 =	sadd.s32 s26, s18;
	[sflag:s13] =	ssyncadd.s32 $0xFFFFC000  }
0x39: {  	[hbm4b:s18+s3] =	stream.linear.scatter [tilespmem:s9], [sflag:$0x3], $0x4000, $0x38;
	[tilespmem:$0x8100] =	vst v63  }
0x3a: {  	s22 =	sor.u32 $0x280, s24;
	_ =	swait.ge [sflag:s4], $0x4000  }
0x3b: {  	s19 =	sshrl.u32 s22, $0x3;
	[sflag:s4] =	ssyncset.done $0x0  }
0x3c: {  	s19 =	sadd.s32 s23, s19;
	[sflag:s4] =	ssyncadd.s32 $0xFFFFC000  }
0x3d: {  	[tilespmem:s6], [sflag:$0x3] =	stream.linear.gather [hbm4b:s19+s3], $0x80, $0x38;
	[tilespmem:$0x8100] =	vst v63  }
0x3e: {  	_ =	swait.ge [sflag:s4], $0x80  }
0x3f: {  	[sflag:s4] =	ssyncset.done $0x0  }
0x40: {  	[sflag:s4] =	ssyncadd.s32 $0xFFFFFF80  }
0x41: {  	[tilespmem:s9], [sflag:$0x2] =	stream.indirect.gather [hbm4b:s1+s6], $0x80, s6, s6, $0xb8;
	[tilespmem:$0x8100] =	vst v63  }
0x42: {  	_ =	swait.ge [sflag:s10], $0x4000  }
0x43: {  	s20 =	sshll.u32 s20, $0x4;
	[sflag:s10] =	ssyncset.done $0x0  }
0x44: {  	s20 =	sadd.s32 s26, s20;
	[sflag:s10] =	ssyncadd.s32 $0xFFFFC000  }
0x45: {  	[hbm4b:s20+s3] =	stream.linear.scatter [tilespmem:s7], [sflag:$0x3], $0x4000, $0x38;
	[tilespmem:$0x8100] =	vst v63  }
0x46: {  	s28 =	sor.u32 $0x300, s24;
	_ =	swait.ge [sflag:s4], $0x4000  }
0x47: {  	s21 =	sshrl.u32 s28, $0x3;
	[sflag:s4] =	ssyncset.done $0x0  }
0x48: {  	s21 =	sadd.s32 s23, s21;
	[sflag:s4] =	ssyncadd.s32 $0xFFFFC000  }
0x49: {  	[tilespmem:s3], [sflag:$0x3] =	stream.linear.gather [hbm4b:s21+s3], $0x80, $0x38;
	[tilespmem:$0x8100] =	vst v63  }
0x4a: {  	_ =	swait.ge [sflag:s4], $0x80  }
0x4b: {  	[sflag:s4] =	ssyncset.done $0x0  }
0x4c: {  	[sflag:s4] =	ssyncadd.s32 $0xFFFFFF80  }
0x4d: {  	[tilespmem:s7], [sflag:$0x1] =	stream.indirect.gather [hbm4b:s1+s6], $0x80, s3, s6, $0xb8;
	[tilespmem:$0x8100] =	vst v63  }
0x4e: {  	_ =	swait.ge [sflag:s13], $0x4000  }
0x4f: {  	s22 =	sshll.u32 s22, $0x4;
	[sflag:s13] =	ssyncset.done $0x0  }
0x50: {  	s22 =	sadd.s32 s26, s22;
	[sflag:s13] =	ssyncadd.s32 $0xFFFFC000  }
0x51: {  	[hbm4b:s22+s3] =	stream.linear.scatter [tilespmem:s9], [sflag:$0x3], $0x4000, $0x38;
	[tilespmem:$0x8100] =	vst v63  }
0x52: {  	s29 =	sor.u32 $0x380, s24;
	_ =	swait.ge [sflag:s4], $0x4000  }
0x53: {  	s24 =	sshrl.u32 s29, $0x3;
	[sflag:s4] =	ssyncset.done $0x0  }
0x54: {  	s23 =	sadd.s32 s23, s24;
	[sflag:s4] =	ssyncadd.s32 $0xFFFFC000  }
0x55: {  	[tilespmem:s6], [sflag:$0x3] =	stream.linear.gather [hbm4b:s23+s3], $0x80, $0x38;
	[tilespmem:$0x8100] =	vst v63  }
0x56: {  	_ =	swait.ge [sflag:s4], $0x80  }
0x57: {  	[sflag:s4] =	ssyncset.done $0x0  }
0x58: {  	[sflag:s4] =	ssyncadd.s32 $0xFFFFFF80  }
0x59: {  	[tilespmem:s9], [sflag:$0x2] =	stream.indirect.gather [hbm4b:s1+s6], $0x80, s6, s6, $0xb8;
	[tilespmem:$0x8100] =	vst v63  }
0x5a: {  	_ =	swait.ge [sflag:s10], $0x4000  }
0x5b: {  	s30 =	sshll.u32 s28, $0x4;
	[sflag:s10] =	ssyncset.done $0x0  }
0x5c: {  	s25 =	ssub.s32 $0x2, s25;
	s24 =	sadd.s32 s26, s30;
	[sflag:s10] =	ssyncadd.s32 $0xFFFFC000  }
0x5d: {  	[hbm4b:s24+s3] =	stream.linear.scatter [tilespmem:s7], [sflag:$0x3], $0x4000, $0x38;
	[tilespmem:$0x8100] =	vst v63  }
0x5e: {  	s31 =	sshrl.u32 s25, $0x1;
	_ =	swait.ge [sflag:s4], $0x4000  }
0x5f: {  	s28 =	ssub.s32 s25, s31;
	[sflag:s4] =	ssyncset.done $0x0  }
0x60: {  	s31 =	smax.u32 s28, $0x1;
	[sflag:s4] =	ssyncadd.s32 $0xFFFFC000  }
0x61: {  	p0 =	sne.s32 s31, $0x1;
	_ =	swait.ge [sflag:s13], $0x4000  }
.Ltmp0:
0x62: {  	s30 =	sshll.u32 s29, $0x4;
	[sflag:s13] =	ssyncset.done $0x0;
	(pc) =	sbr.rel @!p0 .LBB2_2-.Ltmp0, $4  }
0x63: {  	s25 =	sadd.s32 s26, s30;
	[sflag:s13] =	ssyncadd.s32 $0xFFFFC000  }
0x64: {  	[hbm4b:s25+s3] =	stream.linear.scatter [tilespmem:s9], [sflag:$0x3], $0x4000, $0x38;
	[tilespmem:$0x8100] =	vst v63  }
0x65: {  	_ =	swait.ge [sflag:s4], $0x4000  }
0x66: {  	s26 =	sadd.s32 $0xFFFFFFFF, s31;
	[sflag:s4] =	ssyncset.done $0x0  }
.LBB2_1:
0x67: {  	p0 =	sne.s32 s26, $0x1;
	s26 =	sadd.s32 $0xFFFFFFFF, s26;
	[sflag:s4] =	ssyncadd.s32 $0xFFFFC000  }
0x68: {  	[tilespmem:s3], [sflag:$0x3] =	stream.linear.gather [hbm4b:s5+s3], $0x80, $0x38;
	[tilespmem:$0x8100] =	vst v63  }
0x69: {  	_ =	swait.ge [sflag:s4], $0x80  }
0x6a: {  	[sflag:s4] =	ssyncset.done $0x0  }
0x6b: {  	[sflag:s4] =	ssyncadd.s32 $0xFFFFFF80  }
0x6c: {  	[tilespmem:s7], [sflag:$0x1] =	stream.indirect.gather [hbm4b:s1+s6], $0x80, s3, s6, $0xb8;
	[tilespmem:$0x8100] =	vst v63  }
0x6d: {  	_ = 	snop  }
0x6e: {  	[tilespmem:s6], [sflag:$0x3] =	stream.linear.gather [hbm4b:s8+s3], $0x80, $0x38;
	[tilespmem:$0x8100] =	vst v63  }
0x6f: {  	_ =	swait.ge [sflag:s4], $0x80  }
0x70: {  	[sflag:s4] =	ssyncset.done $0x0  }
0x71: {  	[sflag:s4] =	ssyncadd.s32 $0xFFFFFF80  }
0x72: {  	[tilespmem:s9], [sflag:$0x2] =	stream.indirect.gather [hbm4b:s1+s6], $0x80, s6, s6, $0xb8;
	[tilespmem:$0x8100] =	vst v63  }
0x73: {  	_ =	swait.ge [sflag:s10], $0x4000  }
0x74: {  	[sflag:s10] =	ssyncset.done $0x0  }
0x75: {  	[sflag:s10] =	ssyncadd.s32 $0xFFFFC000  }
0x76: {  	[hbm4b:s11+s3] =	stream.linear.scatter [tilespmem:s7], [sflag:$0x3], $0x4000, $0x38;
	[tilespmem:$0x8100] =	vst v63  }
0x77: {  	_ =	swait.ge [sflag:s4], $0x4000  }
0x78: {  	[sflag:s4] =	ssyncset.done $0x0  }
0x79: {  	[sflag:s4] =	ssyncadd.s32 $0xFFFFC000  }
0x7a: {  	[tilespmem:s3], [sflag:$0x3] =	stream.linear.gather [hbm4b:s12+s3], $0x80, $0x38;
	[tilespmem:$0x8100] =	vst v63  }
0x7b: {  	_ =	swait.ge [sflag:s4], $0x80  }
0x7c: {  	[sflag:s4] =	ssyncset.done $0x0  }
0x7d: {  	[sflag:s4] =	ssyncadd.s32 $0xFFFFFF80  }
0x7e: {  	[tilespmem:s7], [sflag:$0x1] =	stream.indirect.gather [hbm4b:s1+s6], $0x80, s3, s6, $0xb8;
	[tilespmem:$0x8100] =	vst v63  }
0x7f: {  	_ =	swait.ge [sflag:s13], $0x4000  }
0x80: {  	[sflag:s13] =	ssyncset.done $0x0  }
0x81: {  	[sflag:s13] =	ssyncadd.s32 $0xFFFFC000  }
0x82: {  	[hbm4b:s14+s3] =	stream.linear.scatter [tilespmem:s9], [sflag:$0x3], $0x4000, $0x38;
	[tilespmem:$0x8100] =	vst v63  }
0x83: {  	_ =	swait.ge [sflag:s4], $0x4000  }
0x84: {  	[sflag:s4] =	ssyncset.done $0x0  }
0x85: {  	[sflag:s4] =	ssyncadd.s32 $0xFFFFC000  }
0x86: {  	[tilespmem:s6], [sflag:$0x3] =	stream.linear.gather [hbm4b:s15+s3], $0x80, $0x38;
	[tilespmem:$0x8100] =	vst v63  }
0x87: {  	_ =	swait.ge [sflag:s4], $0x80  }
0x88: {  	[sflag:s4] =	ssyncset.done $0x0  }
0x89: {  	[sflag:s4] =	ssyncadd.s32 $0xFFFFFF80  }
0x8a: {  	[tilespmem:s9], [sflag:$0x2] =	stream.indirect.gather [hbm4b:s1+s6], $0x80, s6, s6, $0xb8;
	[tilespmem:$0x8100] =	vst v63  }
0x8b: {  	_ =	swait.ge [sflag:s10], $0x4000  }
0x8c: {  	[sflag:s10] =	ssyncset.done $0x0  }
0x8d: {  	[sflag:s10] =	ssyncadd.s32 $0xFFFFC000  }
0x8e: {  	[hbm4b:s16+s3] =	stream.linear.scatter [tilespmem:s7], [sflag:$0x3], $0x4000, $0x38;
	[tilespmem:$0x8100] =	vst v63  }
0x8f: {  	_ =	swait.ge [sflag:s4], $0x4000  }
0x90: {  	[sflag:s4] =	ssyncset.done $0x0  }
0x91: {  	[sflag:s4] =	ssyncadd.s32 $0xFFFFC000  }
0x92: {  	[tilespmem:s3], [sflag:$0x3] =	stream.linear.gather [hbm4b:s17+s3], $0x80, $0x38;
	[tilespmem:$0x8100] =	vst v63  }
0x93: {  	_ =	swait.ge [sflag:s4], $0x80  }
0x94: {  	[sflag:s4] =	ssyncset.done $0x0  }
0x95: {  	[sflag:s4] =	ssyncadd.s32 $0xFFFFFF80  }
0x96: {  	[tilespmem:s7], [sflag:$0x1] =	stream.indirect.gather [hbm4b:s1+s6], $0x80, s3, s6, $0xb8;
	[tilespmem:$0x8100] =	vst v63  }
0x97: {  	_ =	swait.ge [sflag:s13], $0x4000  }
0x98: {  	[sflag:s13] =	ssyncset.done $0x0  }
0x99: {  	[sflag:s13] =	ssyncadd.s32 $0xFFFFC000  }
0x9a: {  	[hbm4b:s18+s3] =	stream.linear.scatter [tilespmem:s9], [sflag:$0x3], $0x4000, $0x38;
	[tilespmem:$0x8100] =	vst v63  }
0x9b: {  	_ =	swait.ge [sflag:s4], $0x4000  }
0x9c: {  	[sflag:s4] =	ssyncset.done $0x0  }
0x9d: {  	[sflag:s4] =	ssyncadd.s32 $0xFFFFC000  }
0x9e: {  	[tilespmem:s6], [sflag:$0x3] =	stream.linear.gather [hbm4b:s19+s3], $0x80, $0x38;
	[tilespmem:$0x8100] =	vst v63  }
0x9f: {  	_ =	swait.ge [sflag:s4], $0x80  }
0xa0: {  	[sflag:s4] =	ssyncset.done $0x0  }
0xa1: {  	[sflag:s4] =	ssyncadd.s32 $0xFFFFFF80  }
0xa2: {  	[tilespmem:s9], [sflag:$0x2] =	stream.indirect.gather [hbm4b:s1+s6], $0x80, s6, s6, $0xb8;
	[tilespmem:$0x8100] =	vst v63  }
0xa3: {  	_ =	swait.ge [sflag:s10], $0x4000  }
0xa4: {  	[sflag:s10] =	ssyncset.done $0x0  }
0xa5: {  	[sflag:s10] =	ssyncadd.s32 $0xFFFFC000  }
0xa6: {  	[hbm4b:s20+s3] =	stream.linear.scatter [tilespmem:s7], [sflag:$0x3], $0x4000, $0x38;
	[tilespmem:$0x8100] =	vst v63  }
0xa7: {  	_ =	swait.ge [sflag:s4], $0x4000  }
0xa8: {  	[sflag:s4] =	ssyncset.done $0x0  }
0xa9: {  	[sflag:s4] =	ssyncadd.s32 $0xFFFFC000  }
0xaa: {  	[tilespmem:s3], [sflag:$0x3] =	stream.linear.gather [hbm4b:s21+s3], $0x80, $0x38;
	[tilespmem:$0x8100] =	vst v63  }
0xab: {  	_ =	swait.ge [sflag:s4], $0x80  }
0xac: {  	[sflag:s4] =	ssyncset.done $0x0  }
0xad: {  	[sflag:s4] =	ssyncadd.s32 $0xFFFFFF80  }
0xae: {  	[tilespmem:s7], [sflag:$0x1] =	stream.indirect.gather [hbm4b:s1+s6], $0x80, s3, s6, $0xb8;
	[tilespmem:$0x8100] =	vst v63  }
0xaf: {  	_ =	swait.ge [sflag:s13], $0x4000  }
0xb0: {  	[sflag:s13] =	ssyncset.done $0x0  }
0xb1: {  	[sflag:s13] =	ssyncadd.s32 $0xFFFFC000  }
0xb2: {  	[hbm4b:s22+s3] =	stream.linear.scatter [tilespmem:s9], [sflag:$0x3], $0x4000, $0x38;
	[tilespmem:$0x8100] =	vst v63  }
0xb3: {  	_ =	swait.ge [sflag:s4], $0x4000  }
0xb4: {  	[sflag:s4] =	ssyncset.done $0x0  }
0xb5: {  	[sflag:s4] =	ssyncadd.s32 $0xFFFFC000  }
0xb6: {  	[tilespmem:s6], [sflag:$0x3] =	stream.linear.gather [hbm4b:s23+s3], $0x80, $0x38;
	[tilespmem:$0x8100] =	vst v63  }
0xb7: {  	_ =	swait.ge [sflag:s4], $0x80  }
0xb8: {  	[sflag:s4] =	ssyncset.done $0x0  }
0xb9: {  	[sflag:s4] =	ssyncadd.s32 $0xFFFFFF80  }
0xba: {  	[tilespmem:s9], [sflag:$0x2] =	stream.indirect.gather [hbm4b:s1+s6], $0x80, s6, s6, $0xb8;
	[tilespmem:$0x8100] =	vst v63  }
0xbb: {  	_ =	swait.ge [sflag:s10], $0x4000  }
0xbc: {  	[sflag:s10] =	ssyncset.done $0x0  }
0xbd: {  	[sflag:s10] =	ssyncadd.s32 $0xFFFFC000  }
0xbe: {  	[hbm4b:s24+s3] =	stream.linear.scatter [tilespmem:s7], [sflag:$0x3], $0x4000, $0x38;
	[tilespmem:$0x8100] =	vst v63  }
0xbf: {  	_ =	swait.ge [sflag:s4], $0x4000  }
0xc0: {  	[sflag:s4] =	ssyncset.done $0x0  }
0xc1: {  	[sflag:s4] =	ssyncadd.s32 $0xFFFFC000  }
0xc2: {  	_ =	swait.ge [sflag:s13], $0x4000  }
.Ltmp1:
0xc3: {  	[sflag:s13] =	ssyncset.done $0x0;
	(pc) =	sbr.rel @p0 .LBB2_1-.Ltmp1, $4  }
0xc4: {  	[sflag:s13] =	ssyncadd.s32 $0xFFFFC000  }
0xc5: {  	[hbm4b:s25+s3] =	stream.linear.scatter [tilespmem:s9], [sflag:$0x3], $0x4000, $0x38;
	[tilespmem:$0x8100] =	vst v63  }
0xc6: {  	_ =	swait.ge [sflag:s4], $0x4000  }
0xc7: {  	[sflag:s4] =	ssyncset.done $0x0  }
.LBB2_2:
0xc8: {  	[sflag:s4] =	ssyncadd.s32 $0xFFFFC000  }
0xc9: {  	_ =	sfence.sel $0x180000  }
0xca: {  	[bflag:$0x0] =	sbarrier.arrive $0xFFFF  }
0xcb: {  	p0 =	sne.s32 s0, $0x0;
	_ =	strace $0x90000047  }
0xcc: {  	s0 =	sadd.s32 @!p0 $0x100000, s2;
	[bflag:$0x2] =	sbarrier.arrive $0xFFFF  }
0xcd: {  	[sflag:s0] =	ssyncadd.tile.s32 @!p0 $0x1;
	_ =	shalt  }
.Lfunc_end2:
_tile_overlayer_lowered:
.L_overlay_start_2:
0xce: {  	(tag) =	ssettag $0x2  }
0xcf: {  	s0 =	rddreg [dreg:$0x0];
	s2 =	stileid.u32  }
0xd0: {  	s1 =	rddreg [dreg:$0x1];
	p0 =	sne.s32 s2, $0x0  }
0xd1: {  	s3 =	rddreg [dreg:$0x2];
	[bflag:$0x3] =	sbarrier.arrive $0xFFFF;
	s2 =	simm.s32 @!p0 $0x1C03  }
0xd2: {  	[timem:s3], [sflag:s2] =	dma.local @!p0 [hbm:s0], s1  }
0xd3: {  	s0 =	simm.s32 @!p0 $0x3  }
0xd4: {  	_ =	swait.ge @!p0 [sflag:s0], s1  }
0xd5: {  	s1 =	ssub.s32 @!p0 $0x0, s1;
	[sflag:s0] =	ssyncset.done @!p0 $0x0  }
0xd6: {  	[sflag:s0] =	ssyncadd.s32 @!p0 s1  }
0xd7: {  	[bflag:$0x3] =	sbarrier.arrive $0xFFFF  }
0xd8: {  	_ =	shalt  }

</sc_bundles>
